<compile_context>
chip_gen: v7x
topology: tpu7x:2x2x1
jax: 0.10.2.dev20260603
libtpu: 0.0.44.dev20260713+nightly
codegen_flags: <defaults>
</compile_context>

<pallas_src>
import jax
import jax.numpy as jnp
from jax import lax
from jax.experimental import pallas as pl
from jax.experimental.pallas import tpu as pltpu
from jax.experimental.pallas import tpu_sc as plsc

NC, NS = 2, 16
NW = NC * NS
BATCH, HIST = 4096, 200
B = BATCH * HIST
D = 32
DP = 128
ROWS_PW = BATCH // NW
RCHUNK = 16
CHUNK = RCHUNK * HIST
NCHUNK = ROWS_PW // RCHUNK


def _emb_body(idx_hbm, table_hbm, out_hbm, idx_v, staged, sem_g):
    wid = lax.axis_index("s") * NC + lax.axis_index("c")
    row0 = wid * ROWS_PW

    def step(i, c):
        b0 = row0 + i * RCHUNK
        pltpu.sync_copy(idx_hbm.at[pl.ds(b0, RCHUNK)], idx_v)
        copies = [
            pltpu.async_copy(table_hbm.at[idx_v.at[j]],
                             staged.at[pl.ds(j * HIST, HIST)], sem_g)
            for j in range(RCHUNK)
        ]
        for cp in copies:
            cp.wait()
        off = b0 * HIST
        pltpu.sync_copy(staged, out_hbm.at[pl.ds(off, CHUNK), pl.ds(0, D)])
        return c

    lax.fori_loop(0, NCHUNK, step, 0)


@jax.jit
def _emb(ids, weight):
    mesh = plsc.VectorSubcoreMesh(core_axis_name="c", subcore_axis_name="s",
                                  num_cores=NC, num_subcores=NS)
    return pl.kernel(
        _emb_body,
        out_type=jax.ShapeDtypeStruct((B, DP), jnp.float32),
        mesh=mesh,
        scratch_types=[
            pltpu.VMEM((RCHUNK, HIST), jnp.int32),
            pltpu.VMEM((CHUNK, D), jnp.float32),
            pltpu.SemaphoreType.DMA,
        ],
        compiler_params=pltpu.CompilerParams(use_tc_tiling_on_sc=False),
    )(ids, weight)


def kernel(input_ids, weight):
    out = _emb(input_ids.astype(jnp.int32), weight)
    return out.reshape(BATCH, HIST, DP)[:, :, :D]

# --- scband reference (transcript-rebuilt; emitter-appended) ---
"""Pipeline reference for scband-embedding-37168646979684 (READ-ONLY COPY).

The authoritative reference and input builder live on the scoring server;
editing this copy changes nothing except your own understanding.
"""

import jax, jax.numpy as jnp
import numpy as np

VOCAB = 1000000
EMBED_DIM = 32
BATCH = 4096
HIST = 200

def setup_inputs(seed: int = 0) -> dict:
    key = jax.random.key(seed)
    k1, k2 = jax.random.split(key)
    input_ids = jax.random.randint(k1, (BATCH, HIST), 0, VOCAB, dtype=jnp.int64)
    weight = jax.random.normal(k2, (VOCAB, EMBED_DIM), dtype=jnp.float32)
    return {"input_ids": input_ids, "weight": weight}

def reference(input_ids, weight):
    # nn.Embedding forward: row gather from the embedding table
    return jnp.take(weight, input_ids, axis=0)

if __name__ == "__main__":
    import jax
    _d = setup_inputs()
    print(jax.jit(kernel)(*tuple(_d.values())))

</pallas_src>

<mosaic_0001>
#map = affine_map<(d0, d1) -> (0, 0)>
module attributes {stable_mosaic.version = 14 : i64} {
  func.func @_emb_body(%arg0: i32, %arg1: i32, %arg2: memref<4096x200xi32, #tpu.memory_space<hbm>>, %arg3: memref<1000000x32xf32, #tpu.memory_space<hbm>>, %arg4: memref<819200x128xf32, #tpu.memory_space<hbm>>, %arg5: memref<16x200xi32, #tpu.memory_space<vmem>>, %arg6: memref<3200x32xf32, #tpu.memory_space<vmem>>, %arg7: memref<!tpu.dma_semaphore, #tpu.memory_space<semaphore_mem>>) attributes {dimension_semantics = [#tpu.dimension_semantics<core_parallel>, #tpu.dimension_semantics<subcore_parallel>], iteration_bounds = array<i64: 2, 16>, scalar_prefetch = 0 : i64, scratch_operands = 3 : i64, tpu.core_type = #tpu.core_type<sc_vector_subcore>, window_params = [{transform_indices = #map}, {transform_indices = #map}, {transform_indices = #map}]} {
    %mul3A = arith.constant 2 : i32
    %mul3A_0 = arith.muli %arg1, %mul3A : i32
    %add3A = arith.addi %mul3A_0, %arg0 : i32
    %mul3A_1 = arith.constant 128 : i32
    %mul3A_2 = arith.muli %add3A, %mul3A_1 : i32
    %scan3A = arith.constant 0 : i32
    %scan3A_3 = arith.constant 0 : i32
    %scan3A_4 = arith.constant 8 : i32
    %scan3A_5 = arith.addi %scan3A_3, %scan3A_4 : i32
    %scan3A_6 = arith.constant 1 : i32
    scf.for %scan3A_8 = %scan3A_3 to %scan3A_5 step %scan3A_6  : i32 {
      %mul3A_9 = arith.constant 16 : i32
      %mul3A_10 = arith.muli %scan3A_8, %mul3A_9 : i32
      %add3A_11 = arith.addi %mul3A_2, %mul3A_10 : i32
      "tpu.region"() ({
        %run_scoped3A = tpu.sem_alloc : memref<!tpu.dma_semaphore, #tpu.memory_space<semaphore_mem>>
        %dma_start3A_332 = arith.constant 0 : i32
        %dma_start3A_333 = tpu.memref_slice %arg2[%add3A_11, %dma_start3A_332] : memref<4096x200xi32, #tpu.memory_space<hbm>> -> memref<16x200xi32, #tpu.memory_space<hbm>>
        %dma_start3A_334 = arith.constant 0 : i32
        %dma_start3A_335 = tpu.memref_slice %arg2[%add3A_11, %dma_start3A_334] : memref<4096x200xi32, #tpu.memory_space<hbm>> -> memref<16x200xi32, #tpu.memory_space<hbm>>
        tpu.enqueue_dma source(%dma_start3A_335 : memref<16x200xi32, #tpu.memory_space<hbm>>) target(%arg5 : memref<16x200xi32, #tpu.memory_space<vmem>>) target_semaphore(%run_scoped3A : memref<!tpu.dma_semaphore, #tpu.memory_space<semaphore_mem>>)
        %dma_wait3A_336 = arith.constant 0 : i32
        %dma_wait3A_337 = tpu.memref_slice %arg2[%add3A_11, %dma_wait3A_336] : memref<4096x200xi32, #tpu.memory_space<hbm>> -> memref<16x200xi32, #tpu.memory_space<hbm>>
        %dma_wait3A_338 = arith.constant 0 : i32
        %dma_wait3A_339 = tpu.memref_slice %arg2[%add3A_11, %dma_wait3A_338] : memref<4096x200xi32, #tpu.memory_space<hbm>> -> memref<16x200xi32, #tpu.memory_space<hbm>>
        tpu.wait_dma2 semaphore(%run_scoped3A : memref<!tpu.dma_semaphore, #tpu.memory_space<semaphore_mem>>) src(%dma_wait3A_339 : memref<16x200xi32, #tpu.memory_space<hbm>>) dst(%arg5 : memref<16x200xi32, #tpu.memory_space<vmem>>)
        tpu.yield
      }) : () -> ()
      %dma_start3A = arith.constant 0 : i32
      %dma_start3A_12 = arith.constant 0 : i32
      %dma_start3A_13 = arith.constant 0 : i32
      %dma_start3A_14 = tpu.memref_slice %arg6[%dma_start3A_12, %dma_start3A_13] : memref<3200x32xf32, #tpu.memory_space<vmem>> -> memref<200x32xf32, #tpu.memory_space<vmem>>
      %dma_start3A_15 = arith.constant 0 : i32
      %dma_start3A_16 = tpu.memref_slice %arg5[%dma_start3A, %dma_start3A_15] : memref<16x200xi32, #tpu.memory_space<vmem>> -> memref<1x200xi32, #tpu.memory_space<vmem>>
      %dma_start3A_17 = tpu.memref_squeeze %dma_start3A_16 : memref<1x200xi32, #tpu.memory_space<vmem>> -> memref<200xi32, #tpu.memory_space<vmem>>
      %dma_start3A_18 = arith.constant 0 : i32
      %dma_start3A_19 = arith.constant 0 : i32
      %dma_start3A_20 = tpu.memref_slice %arg3[%dma_start3A_18, %dma_start3A_19] : memref<1000000x32xf32, #tpu.memory_space<hbm>> -> memref<1000000x32xf32, #tpu.memory_space<hbm>>
      tpu.enqueue_indirect_dma source(%dma_start3A_20 : memref<1000000x32xf32, #tpu.memory_space<hbm>>) target(%dma_start3A_14 : memref<200x32xf32, #tpu.memory_space<vmem>>) offsets(%dma_start3A_17 : memref<200xi32, #tpu.memory_space<vmem>>) semaphore(%arg7 : memref<!tpu.dma_semaphore, #tpu.memory_space<semaphore_mem>>)
      %dma_start3A_21 = arith.constant 1 : i32
      %dma_start3A_22 = arith.constant 200 : i32
      %dma_start3A_23 = arith.constant 0 : i32
      %dma_start3A_24 = tpu.memref_slice %arg6[%dma_start3A_22, %dma_start3A_23] : memref<3200x32xf32, #tpu.memory_space<vmem>> -> memref<200x32xf32, #tpu.memory_space<vmem>>
      %dma_start3A_25 = arith.constant 0 : i32
      %dma_start3A_26 = tpu.memref_slice %arg5[%dma_start3A_21, %dma_start3A_25] : memref<16x200xi32, #tpu.memory_space<vmem>> -> memref<1x200xi32, #tpu.memory_space<vmem>>
      %dma_start3A_27 = tpu.memref_squeeze %dma_start3A_26 : memref<1x200xi32, #tpu.memory_space<vmem>> -> memref<200xi32, #tpu.memory_space<vmem>>
      %dma_start3A_28 = arith.constant 0 : i32
      %dma_start3A_29 = arith.constant 0 : i32
      %dma_start3A_30 = tpu.memref_slice %arg3[%dma_start3A_28, %dma_start3A_29] : memref<1000000x32xf32, #tpu.memory_space<hbm>> -> memref<1000000x32xf32, #tpu.memory_space<hbm>>
      tpu.enqueue_indirect_dma source(%dma_start3A_30 : memref<1000000x32xf32, #tpu.memory_space<hbm>>) target(%dma_start3A_24 : memref<200x32xf32, #tpu.memory_space<vmem>>) offsets(%dma_start3A_27 : memref<200xi32, #tpu.memory_space<vmem>>) semaphore(%arg7 : memref<!tpu.dma_semaphore, #tpu.memory_space<semaphore_mem>>)
      %dma_start3A_31 = arith.constant 2 : i32
      %dma_start3A_32 = arith.constant 400 : i32
      %dma_start3A_33 = arith.constant 0 : i32
      %dma_start3A_34 = tpu.memref_slice %arg6[%dma_start3A_32, %dma_start3A_33] : memref<3200x32xf32, #tpu.memory_space<vmem>> -> memref<200x32xf32, #tpu.memory_space<vmem>>
      %dma_start3A_35 = arith.constant 0 : i32
      %dma_start3A_36 = tpu.memref_slice %arg5[%dma_start3A_31, %dma_start3A_35] : memref<16x200xi32, #tpu.memory_space<vmem>> -> memref<1x200xi32, #tpu.memory_space<vmem>>
      %dma_start3A_37 = tpu.memref_squeeze %dma_start3A_36 : memref<1x200xi32, #tpu.memory_space<vmem>> -> memref<200xi32, #tpu.memory_space<vmem>>
      %dma_start3A_38 = arith.constant 0 : i32
      %dma_start3A_39 = arith.constant 0 : i32
      %dma_start3A_40 = tpu.memref_slice %arg3[%dma_start3A_38, %dma_start3A_39] : memref<1000000x32xf32, #tpu.memory_space<hbm>> -> memref<1000000x32xf32, #tpu.memory_space<hbm>>
      tpu.enqueue_indirect_dma source(%dma_start3A_40 : memref<1000000x32xf32, #tpu.memory_space<hbm>>) target(%dma_start3A_34 : memref<200x32xf32, #tpu.memory_space<vmem>>) offsets(%dma_start3A_37 : memref<200xi32, #tpu.memory_space<vmem>>) semaphore(%arg7 : memref<!tpu.dma_semaphore, #tpu.memory_space<semaphore_mem>>)
      %dma_start3A_41 = arith.constant 3 : i32
      %dma_start3A_42 = arith.constant 600 : i32
      %dma_start3A_43 = arith.constant 0 : i32
      %dma_start3A_44 = tpu.memref_slice %arg6[%dma_start3A_42, %dma_start3A_43] : memref<3200x32xf32, #tpu.memory_space<vmem>> -> memref<200x32xf32, #tpu.memory_space<vmem>>
      %dma_start3A_45 = arith.constant 0 : i32
      %dma_start3A_46 = tpu.memref_slice %arg5[%dma_start3A_41, %dma_start3A_45] : memref<16x200xi32, #tpu.memory_space<vmem>> -> memref<1x200xi32, #tpu.memory_space<vmem>>
      %dma_start3A_47 = tpu.memref_squeeze %dma_start3A_46 : memref<1x200xi32, #tpu.memory_space<vmem>> -> memref<200xi32, #tpu.memory_space<vmem>>
      %dma_start3A_48 = arith.constant 0 : i32
      %dma_start3A_49 = arith.constant 0 : i32
      %dma_start3A_50 = tpu.memref_slice %arg3[%dma_start3A_48, %dma_start3A_49] : memref<1000000x32xf32, #tpu.memory_space<hbm>> -> memref<1000000x32xf32, #tpu.memory_space<hbm>>
      tpu.enqueue_indirect_dma source(%dma_start3A_50 : memref<1000000x32xf32, #tpu.memory_space<hbm>>) target(%dma_start3A_44 : memref<200x32xf32, #tpu.memory_space<vmem>>) offsets(%dma_start3A_47 : memref<200xi32, #tpu.memory_space<vmem>>) semaphore(%arg7 : memref<!tpu.dma_semaphore, #tpu.memory_space<semaphore_mem>>)
      %dma_start3A_51 = arith.constant 4 : i32
      %dma_start3A_52 = arith.constant 800 : i32
      %dma_start3A_53 = arith.constant 0 : i32
      %dma_start3A_54 = tpu.memref_slice %arg6[%dma_start3A_52, %dma_start3A_53] : memref<3200x32xf32, #tpu.memory_space<vmem>> -> memref<200x32xf32, #tpu.memory_space<vmem>>
      %dma_start3A_55 = arith.constant 0 : i32
      %dma_start3A_56 = tpu.memref_slice %arg5[%dma_start3A_51, %dma_start3A_55] : memref<16x200xi32, #tpu.memory_space<vmem>> -> memref<1x200xi32, #tpu.memory_space<vmem>>
      %dma_start3A_57 = tpu.memref_squeeze %dma_start3A_56 : memref<1x200xi32, #tpu.memory_space<vmem>> -> memref<200xi32, #tpu.memory_space<vmem>>
      %dma_start3A_58 = arith.constant 0 : i32
      %dma_start3A_59 = arith.constant 0 : i32
      %dma_start3A_60 = tpu.memref_slice %arg3[%dma_start3A_58, %dma_start3A_59] : memref<1000000x32xf32, #tpu.memory_space<hbm>> -> memref<1000000x32xf32, #tpu.memory_space<hbm>>
      tpu.enqueue_indirect_dma source(%dma_start3A_60 : memref<1000000x32xf32, #tpu.memory_space<hbm>>) target(%dma_start3A_54 : memref<200x32xf32, #tpu.memory_space<vmem>>) offsets(%dma_start3A_57 : memref<200xi32, #tpu.memory_space<vmem>>) semaphore(%arg7 : memref<!tpu.dma_semaphore, #tpu.memory_space<semaphore_mem>>)
      %dma_start3A_61 = arith.constant 5 : i32
      %dma_start3A_62 = arith.constant 1000 : i32
      %dma_start3A_63 = arith.constant 0 : i32
      %dma_start3A_64 = tpu.memref_slice %arg6[%dma_start3A_62, %dma_start3A_63] : memref<3200x32xf32, #tpu.memory_space<vmem>> -> memref<200x32xf32, #tpu.memory_space<vmem>>
      %dma_start3A_65 = arith.constant 0 : i32
      %dma_start3A_66 = tpu.memref_slice %arg5[%dma_start3A_61, %dma_start3A_65] : memref<16x200xi32, #tpu.memory_space<vmem>> -> memref<1x200xi32, #tpu.memory_space<vmem>>
      %dma_start3A_67 = tpu.memref_squeeze %dma_start3A_66 : memref<1x200xi32, #tpu.memory_space<vmem>> -> memref<200xi32, #tpu.memory_space<vmem>>
      %dma_start3A_68 = arith.constant 0 : i32
      %dma_start3A_69 = arith.constant 0 : i32
      %dma_start3A_70 = tpu.memref_slice %arg3[%dma_start3A_68, %dma_start3A_69] : memref<1000000x32xf32, #tpu.memory_space<hbm>> -> memref<1000000x32xf32, #tpu.memory_space<hbm>>
      tpu.enqueue_indirect_dma source(%dma_start3A_70 : memref<1000000x32xf32, #tpu.memory_space<hbm>>) target(%dma_start3A_64 : memref<200x32xf32, #tpu.memory_space<vmem>>) offsets(%dma_start3A_67 : memref<200xi32, #tpu.memory_space<vmem>>) semaphore(%arg7 : memref<!tpu.dma_semaphore, #tpu.memory_space<semaphore_mem>>)
      %dma_start3A_71 = arith.constant 6 : i32
      %dma_start3A_72 = arith.constant 1200 : i32
      %dma_start3A_73 = arith.constant 0 : i32
      %dma_start3A_74 = tpu.memref_slice %arg6[%dma_start3A_72, %dma_start3A_73] : memref<3200x32xf32, #tpu.memory_space<vmem>> -> memref<200x32xf32, #tpu.memory_space<vmem>>
      %dma_start3A_75 = arith.constant 0 : i32
      %dma_start3A_76 = tpu.memref_slice %arg5[%dma_start3A_71, %dma_start3A_75] : memref<16x200xi32, #tpu.memory_space<vmem>> -> memref<1x200xi32, #tpu.memory_space<vmem>>
      %dma_start3A_77 = tpu.memref_squeeze %dma_start3A_76 : memref<1x200xi32, #tpu.memory_space<vmem>> -> memref<200xi32, #tpu.memory_space<vmem>>
      %dma_start3A_78 = arith.constant 0 : i32
      %dma_start3A_79 = arith.constant 0 : i32
      %dma_start3A_80 = tpu.memref_slice %arg3[%dma_start3A_78, %dma_start3A_79] : memref<1000000x32xf32, #tpu.memory_space<hbm>> -> memref<1000000x32xf32, #tpu.memory_space<hbm>>
      tpu.enqueue_indirect_dma source(%dma_start3A_80 : memref<1000000x32xf32, #tpu.memory_space<hbm>>) target(%dma_start3A_74 : memref<200x32xf32, #tpu.memory_space<vmem>>) offsets(%dma_start3A_77 : memref<200xi32, #tpu.memory_space<vmem>>) semaphore(%arg7 : memref<!tpu.dma_semaphore, #tpu.memory_space<semaphore_mem>>)
      %dma_start3A_81 = arith.constant 7 : i32
      %dma_start3A_82 = arith.constant 1400 : i32
      %dma_start3A_83 = arith.constant 0 : i32
      %dma_start3A_84 = tpu.memref_slice %arg6[%dma_start3A_82, %dma_start3A_83] : memref<3200x32xf32, #tpu.memory_space<vmem>> -> memref<200x32xf32, #tpu.memory_space<vmem>>
      %dma_start3A_85 = arith.constant 0 : i32
      %dma_start3A_86 = tpu.memref_slice %arg5[%dma_start3A_81, %dma_start3A_85] : memref<16x200xi32, #tpu.memory_space<vmem>> -> memref<1x200xi32, #tpu.memory_space<vmem>>
      %dma_start3A_87 = tpu.memref_squeeze %dma_start3A_86 : memref<1x200xi32, #tpu.memory_space<vmem>> -> memref<200xi32, #tpu.memory_space<vmem>>
      %dma_start3A_88 = arith.constant 0 : i32
      %dma_start3A_89 = arith.constant 0 : i32
      %dma_start3A_90 = tpu.memref_slice %arg3[%dma_start3A_88, %dma_start3A_89] : memref<1000000x32xf32, #tpu.memory_space<hbm>> -> memref<1000000x32xf32, #tpu.memory_space<hbm>>
      tpu.enqueue_indirect_dma source(%dma_start3A_90 : memref<1000000x32xf32, #tpu.memory_space<hbm>>) target(%dma_start3A_84 : memref<200x32xf32, #tpu.memory_space<vmem>>) offsets(%dma_start3A_87 : memref<200xi32, #tpu.memory_space<vmem>>) semaphore(%arg7 : memref<!tpu.dma_semaphore, #tpu.memory_space<semaphore_mem>>)
      %dma_start3A_91 = arith.constant 8 : i32
      %dma_start3A_92 = arith.constant 1600 : i32
      %dma_start3A_93 = arith.constant 0 : i32
      %dma_start3A_94 = tpu.memref_slice %arg6[%dma_start3A_92, %dma_start3A_93] : memref<3200x32xf32, #tpu.memory_space<vmem>> -> memref<200x32xf32, #tpu.memory_space<vmem>>
      %dma_start3A_95 = arith.constant 0 : i32
      %dma_start3A_96 = tpu.memref_slice %arg5[%dma_start3A_91, %dma_start3A_95] : memref<16x200xi32, #tpu.memory_space<vmem>> -> memref<1x200xi32, #tpu.memory_space<vmem>>
      %dma_start3A_97 = tpu.memref_squeeze %dma_start3A_96 : memref<1x200xi32, #tpu.memory_space<vmem>> -> memref<200xi32, #tpu.memory_space<vmem>>
      %dma_start3A_98 = arith.constant 0 : i32
      %dma_start3A_99 = arith.constant 0 : i32
      %dma_start3A_100 = tpu.memref_slice %arg3[%dma_start3A_98, %dma_start3A_99] : memref<1000000x32xf32, #tpu.memory_space<hbm>> -> memref<1000000x32xf32, #tpu.memory_space<hbm>>
      tpu.enqueue_indirect_dma source(%dma_start3A_100 : memref<1000000x32xf32, #tpu.memory_space<hbm>>) target(%dma_start3A_94 : memref<200x32xf32, #tpu.memory_space<vmem>>) offsets(%dma_start3A_97 : memref<200xi32, #tpu.memory_space<vmem>>) semaphore(%arg7 : memref<!tpu.dma_semaphore, #tpu.memory_space<semaphore_mem>>)
      %dma_start3A_101 = arith.constant 9 : i32
      %dma_start3A_102 = arith.constant 1800 : i32
      %dma_start3A_103 = arith.constant 0 : i32
      %dma_start3A_104 = tpu.memref_slice %arg6[%dma_start3A_102, %dma_start3A_103] : memref<3200x32xf32, #tpu.memory_space<vmem>> -> memref<200x32xf32, #tpu.memory_space<vmem>>
      %dma_start3A_105 = arith.constant 0 : i32
      %dma_start3A_106 = tpu.memref_slice %arg5[%dma_start3A_101, %dma_start3A_105] : memref<16x200xi32, #tpu.memory_space<vmem>> -> memref<1x200xi32, #tpu.memory_space<vmem>>
      %dma_start3A_107 = tpu.memref_squeeze %dma_start3A_106 : memref<1x200xi32, #tpu.memory_space<vmem>> -> memref<200xi32, #tpu.memory_space<vmem>>
      %dma_start3A_108 = arith.constant 0 : i32
      %dma_start3A_109 = arith.constant 0 : i32
      %dma_start3A_110 = tpu.memref_slice %arg3[%dma_start3A_108, %dma_start3A_109] : memref<1000000x32xf32, #tpu.memory_space<hbm>> -> memref<1000000x32xf32, #tpu.memory_space<hbm>>
      tpu.enqueue_indirect_dma source(%dma_start3A_110 : memref<1000000x32xf32, #tpu.memory_space<hbm>>) target(%dma_start3A_104 : memref<200x32xf32, #tpu.memory_space<vmem>>) offsets(%dma_start3A_107 : memref<200xi32, #tpu.memory_space<vmem>>) semaphore(%arg7 : memref<!tpu.dma_semaphore, #tpu.memory_space<semaphore_mem>>)
      %dma_start3A_111 = arith.constant 10 : i32
      %dma_start3A_112 = arith.constant 2000 : i32
      %dma_start3A_113 = arith.constant 0 : i32
      %dma_start3A_114 = tpu.memref_slice %arg6[%dma_start3A_112, %dma_start3A_113] : memref<3200x32xf32, #tpu.memory_space<vmem>> -> memref<200x32xf32, #tpu.memory_space<vmem>>
      %dma_start3A_115 = arith.constant 0 : i32
      %dma_start3A_116 = tpu.memref_slice %arg5[%dma_start3A_111, %dma_start3A_115] : memref<16x200xi32, #tpu.memory_space<vmem>> -> memref<1x200xi32, #tpu.memory_space<vmem>>
      %dma_start3A_117 = tpu.memref_squeeze %dma_start3A_116 : memref<1x200xi32, #tpu.memory_space<vmem>> -> memref<200xi32, #tpu.memory_space<vmem>>
      %dma_start3A_118 = arith.constant 0 : i32
      %dma_start3A_119 = arith.constant 0 : i32
      %dma_start3A_120 = tpu.memref_slice %arg3[%dma_start3A_118, %dma_start3A_119] : memref<1000000x32xf32, #tpu.memory_space<hbm>> -> memref<1000000x32xf32, #tpu.memory_space<hbm>>
      tpu.enqueue_indirect_dma source(%dma_start3A_120 : memref<1000000x32xf32, #tpu.memory_space<hbm>>) target(%dma_start3A_114 : memref<200x32xf32, #tpu.memory_space<vmem>>) offsets(%dma_start3A_117 : memref<200xi32, #tpu.memory_space<vmem>>) semaphore(%arg7 : memref<!tpu.dma_semaphore, #tpu.memory_space<semaphore_mem>>)
      %dma_start3A_121 = arith.constant 11 : i32
      %dma_start3A_122 = arith.constant 2200 : i32
      %dma_start3A_123 = arith.constant 0 : i32
      %dma_start3A_124 = tpu.memref_slice %arg6[%dma_start3A_122, %dma_start3A_123] : memref<3200x32xf32, #tpu.memory_space<vmem>> -> memref<200x32xf32, #tpu.memory_space<vmem>>
      %dma_start3A_125 = arith.constant 0 : i32
      %dma_start3A_126 = tpu.memref_slice %arg5[%dma_start3A_121, %dma_start3A_125] : memref<16x200xi32, #tpu.memory_space<vmem>> -> memref<1x200xi32, #tpu.memory_space<vmem>>
      %dma_start3A_127 = tpu.memref_squeeze %dma_start3A_126 : memref<1x200xi32, #tpu.memory_space<vmem>> -> memref<200xi32, #tpu.memory_space<vmem>>
      %dma_start3A_128 = arith.constant 0 : i32
      %dma_start3A_129 = arith.constant 0 : i32
      %dma_start3A_130 = tpu.memref_slice %arg3[%dma_start3A_128, %dma_start3A_129] : memref<1000000x32xf32, #tpu.memory_space<hbm>> -> memref<1000000x32xf32, #tpu.memory_space<hbm>>
      tpu.enqueue_indirect_dma source(%dma_start3A_130 : memref<1000000x32xf32, #tpu.memory_space<hbm>>) target(%dma_start3A_124 : memref<200x32xf32, #tpu.memory_space<vmem>>) offsets(%dma_start3A_127 : memref<200xi32, #tpu.memory_space<vmem>>) semaphore(%arg7 : memref<!tpu.dma_semaphore, #tpu.memory_space<semaphore_mem>>)
      %dma_start3A_131 = arith.constant 12 : i32
      %dma_start3A_132 = arith.constant 2400 : i32
      %dma_start3A_133 = arith.constant 0 : i32
      %dma_start3A_134 = tpu.memref_slice %arg6[%dma_start3A_132, %dma_start3A_133] : memref<3200x32xf32, #tpu.memory_space<vmem>> -> memref<200x32xf32, #tpu.memory_space<vmem>>
      %dma_start3A_135 = arith.constant 0 : i32
      %dma_start3A_136 = tpu.memref_slice %arg5[%dma_start3A_131, %dma_start3A_135] : memref<16x200xi32, #tpu.memory_space<vmem>> -> memref<1x200xi32, #tpu.memory_space<vmem>>
      %dma_start3A_137 = tpu.memref_squeeze %dma_start3A_136 : memref<1x200xi32, #tpu.memory_space<vmem>> -> memref<200xi32, #tpu.memory_space<vmem>>
      %dma_start3A_138 = arith.constant 0 : i32
      %dma_start3A_139 = arith.constant 0 : i32
      %dma_start3A_140 = tpu.memref_slice %arg3[%dma_start3A_138, %dma_start3A_139] : memref<1000000x32xf32, #tpu.memory_space<hbm>> -> memref<1000000x32xf32, #tpu.memory_space<hbm>>
      tpu.enqueue_indirect_dma source(%dma_start3A_140 : memref<1000000x32xf32, #tpu.memory_space<hbm>>) target(%dma_start3A_134 : memref<200x32xf32, #tpu.memory_space<vmem>>) offsets(%dma_start3A_137 : memref<200xi32, #tpu.memory_space<vmem>>) semaphore(%arg7 : memref<!tpu.dma_semaphore, #tpu.memory_space<semaphore_mem>>)
      %dma_start3A_141 = arith.constant 13 : i32
      %dma_start3A_142 = arith.constant 2600 : i32
      %dma_start3A_143 = arith.constant 0 : i32
      %dma_start3A_144 = tpu.memref_slice %arg6[%dma_start3A_142, %dma_start3A_143] : memref<3200x32xf32, #tpu.memory_space<vmem>> -> memref<200x32xf32, #tpu.memory_space<vmem>>
      %dma_start3A_145 = arith.constant 0 : i32
      %dma_start3A_146 = tpu.memref_slice %arg5[%dma_start3A_141, %dma_start3A_145] : memref<16x200xi32, #tpu.memory_space<vmem>> -> memref<1x200xi32, #tpu.memory_space<vmem>>
      %dma_start3A_147 = tpu.memref_squeeze %dma_start3A_146 : memref<1x200xi32, #tpu.memory_space<vmem>> -> memref<200xi32, #tpu.memory_space<vmem>>
      %dma_start3A_148 = arith.constant 0 : i32
      %dma_start3A_149 = arith.constant 0 : i32
      %dma_start3A_150 = tpu.memref_slice %arg3[%dma_start3A_148, %dma_start3A_149] : memref<1000000x32xf32, #tpu.memory_space<hbm>> -> memref<1000000x32xf32, #tpu.memory_space<hbm>>
      tpu.enqueue_indirect_dma source(%dma_start3A_150 : memref<1000000x32xf32, #tpu.memory_space<hbm>>) target(%dma_start3A_144 : memref<200x32xf32, #tpu.memory_space<vmem>>) offsets(%dma_start3A_147 : memref<200xi32, #tpu.memory_space<vmem>>) semaphore(%arg7 : memref<!tpu.dma_semaphore, #tpu.memory_space<semaphore_mem>>)
      %dma_start3A_151 = arith.constant 14 : i32
      %dma_start3A_152 = arith.constant 2800 : i32
      %dma_start3A_153 = arith.constant 0 : i32
      %dma_start3A_154 = tpu.memref_slice %arg6[%dma_start3A_152, %dma_start3A_153] : memref<3200x32xf32, #tpu.memory_space<vmem>> -> memref<200x32xf32, #tpu.memory_space<vmem>>
      %dma_start3A_155 = arith.constant 0 : i32
      %dma_start3A_156 = tpu.memref_slice %arg5[%dma_start3A_151, %dma_start3A_155] : memref<16x200xi32, #tpu.memory_space<vmem>> -> memref<1x200xi32, #tpu.memory_space<vmem>>
      %dma_start3A_157 = tpu.memref_squeeze %dma_start3A_156 : memref<1x200xi32, #tpu.memory_space<vmem>> -> memref<200xi32, #tpu.memory_space<vmem>>
      %dma_start3A_158 = arith.constant 0 : i32
      %dma_start3A_159 = arith.constant 0 : i32
      %dma_start3A_160 = tpu.memref_slice %arg3[%dma_start3A_158, %dma_start3A_159] : memref<1000000x32xf32, #tpu.memory_space<hbm>> -> memref<1000000x32xf32, #tpu.memory_space<hbm>>
      tpu.enqueue_indirect_dma source(%dma_start3A_160 : memref<1000000x32xf32, #tpu.memory_space<hbm>>) target(%dma_start3A_154 : memref<200x32xf32, #tpu.memory_space<vmem>>) offsets(%dma_start3A_157 : memref<200xi32, #tpu.memory_space<vmem>>) semaphore(%arg7 : memref<!tpu.dma_semaphore, #tpu.memory_space<semaphore_mem>>)
      %dma_start3A_161 = arith.constant 15 : i32
      %dma_start3A_162 = arith.constant 3000 : i32
      %dma_start3A_163 = arith.constant 0 : i32
      %dma_start3A_164 = tpu.memref_slice %arg6[%dma_start3A_162, %dma_start3A_163] : memref<3200x32xf32, #tpu.memory_space<vmem>> -> memref<200x32xf32, #tpu.memory_space<vmem>>
      %dma_start3A_165 = arith.constant 0 : i32
      %dma_start3A_166 = tpu.memref_slice %arg5[%dma_start3A_161, %dma_start3A_165] : memref<16x200xi32, #tpu.memory_space<vmem>> -> memref<1x200xi32, #tpu.memory_space<vmem>>
      %dma_start3A_167 = tpu.memref_squeeze %dma_start3A_166 : memref<1x200xi32, #tpu.memory_space<vmem>> -> memref<200xi32, #tpu.memory_space<vmem>>
      %dma_start3A_168 = arith.constant 0 : i32
      %dma_start3A_169 = arith.constant 0 : i32
      %dma_start3A_170 = tpu.memref_slice %arg3[%dma_start3A_168, %dma_start3A_169] : memref<1000000x32xf32, #tpu.memory_space<hbm>> -> memref<1000000x32xf32, #tpu.memory_space<hbm>>
      tpu.enqueue_indirect_dma source(%dma_start3A_170 : memref<1000000x32xf32, #tpu.memory_space<hbm>>) target(%dma_start3A_164 : memref<200x32xf32, #tpu.memory_space<vmem>>) offsets(%dma_start3A_167 : memref<200xi32, #tpu.memory_space<vmem>>) semaphore(%arg7 : memref<!tpu.dma_semaphore, #tpu.memory_space<semaphore_mem>>)
      %dma_wait3A = arith.constant 0 : i32
      %dma_wait3A_171 = arith.constant 0 : i32
      %dma_wait3A_172 = arith.constant 0 : i32
      %dma_wait3A_173 = tpu.memref_slice %arg6[%dma_wait3A_171, %dma_wait3A_172] : memref<3200x32xf32, #tpu.memory_space<vmem>> -> memref<200x32xf32, #tpu.memory_space<vmem>>
      %dma_wait3A_174 = arith.constant 0 : i32
      %dma_wait3A_175 = tpu.memref_slice %arg5[%dma_wait3A, %dma_wait3A_174] : memref<16x200xi32, #tpu.memory_space<vmem>> -> memref<1x200xi32, #tpu.memory_space<vmem>>
      %dma_wait3A_176 = tpu.memref_squeeze %dma_wait3A_175 : memref<1x200xi32, #tpu.memory_space<vmem>> -> memref<200xi32, #tpu.memory_space<vmem>>
      %dma_wait3A_177 = arith.constant 0 : i32
      %dma_wait3A_178 = arith.constant 0 : i32
      %dma_wait3A_179 = tpu.memref_slice %arg3[%dma_wait3A_177, %dma_wait3A_178] : memref<1000000x32xf32, #tpu.memory_space<hbm>> -> memref<1000000x32xf32, #tpu.memory_space<hbm>>
      tpu.wait_indirect_dma semaphore(%arg7 : memref<!tpu.dma_semaphore, #tpu.memory_space<semaphore_mem>>) src(%dma_wait3A_179 : memref<1000000x32xf32, #tpu.memory_space<hbm>>) dst(%dma_wait3A_173 : memref<200x32xf32, #tpu.memory_space<vmem>>)
      %dma_wait3A_180 = arith.constant 1 : i32
      %dma_wait3A_181 = arith.constant 200 : i32
      %dma_wait3A_182 = arith.constant 0 : i32
      %dma_wait3A_183 = tpu.memref_slice %arg6[%dma_wait3A_181, %dma_wait3A_182] : memref<3200x32xf32, #tpu.memory_space<vmem>> -> memref<200x32xf32, #tpu.memory_space<vmem>>
      %dma_wait3A_184 = arith.constant 0 : i32
      %dma_wait3A_185 = tpu.memref_slice %arg5[%dma_wait3A_180, %dma_wait3A_184] : memref<16x200xi32, #tpu.memory_space<vmem>> -> memref<1x200xi32, #tpu.memory_space<vmem>>
      %dma_wait3A_186 = tpu.memref_squeeze %dma_wait3A_185 : memref<1x200xi32, #tpu.memory_space<vmem>> -> memref<200xi32, #tpu.memory_space<vmem>>
      %dma_wait3A_187 = arith.constant 0 : i32
      %dma_wait3A_188 = arith.constant 0 : i32
      %dma_wait3A_189 = tpu.memref_slice %arg3[%dma_wait3A_187, %dma_wait3A_188] : memref<1000000x32xf32, #tpu.memory_space<hbm>> -> memref<1000000x32xf32, #tpu.memory_space<hbm>>
      tpu.wait_indirect_dma semaphore(%arg7 : memref<!tpu.dma_semaphore, #tpu.memory_space<semaphore_mem>>) src(%dma_wait3A_189 : memref<1000000x32xf32, #tpu.memory_space<hbm>>) dst(%dma_wait3A_183 : memref<200x32xf32, #tpu.memory_space<vmem>>)
      %dma_wait3A_190 = arith.constant 2 : i32
      %dma_wait3A_191 = arith.constant 400 : i32
      %dma_wait3A_192 = arith.constant 0 : i32
      %dma_wait3A_193 = tpu.memref_slice %arg6[%dma_wait3A_191, %dma_wait3A_192] : memref<3200x32xf32, #tpu.memory_space<vmem>> -> memref<200x32xf32, #tpu.memory_space<vmem>>
      %dma_wait3A_194 = arith.constant 0 : i32
      %dma_wait3A_195 = tpu.memref_slice %arg5[%dma_wait3A_190, %dma_wait3A_194] : memref<16x200xi32, #tpu.memory_space<vmem>> -> memref<1x200xi32, #tpu.memory_space<vmem>>
      %dma_wait3A_196 = tpu.memref_squeeze %dma_wait3A_195 : memref<1x200xi32, #tpu.memory_space<vmem>> -> memref<200xi32, #tpu.memory_space<vmem>>
      %dma_wait3A_197 = arith.constant 0 : i32
      %dma_wait3A_198 = arith.constant 0 : i32
      %dma_wait3A_199 = tpu.memref_slice %arg3[%dma_wait3A_197, %dma_wait3A_198] : memref<1000000x32xf32, #tpu.memory_space<hbm>> -> memref<1000000x32xf32, #tpu.memory_space<hbm>>
      tpu.wait_indirect_dma semaphore(%arg7 : memref<!tpu.dma_semaphore, #tpu.memory_space<semaphore_mem>>) src(%dma_wait3A_199 : memref<1000000x32xf32, #tpu.memory_space<hbm>>) dst(%dma_wait3A_193 : memref<200x32xf32, #tpu.memory_space<vmem>>)
      %dma_wait3A_200 = arith.constant 3 : i32
      %dma_wait3A_201 = arith.constant 600 : i32
      %dma_wait3A_202 = arith.constant 0 : i32
      %dma_wait3A_203 = tpu.memref_slice %arg6[%dma_wait3A_201, %dma_wait3A_202] : memref<3200x32xf32, #tpu.memory_space<vmem>> -> memref<200x32xf32, #tpu.memory_space<vmem>>
      %dma_wait3A_204 = arith.constant 0 : i32
      %dma_wait3A_205 = tpu.memref_slice %arg5[%dma_wait3A_200, %dma_wait3A_204] : memref<16x200xi32, #tpu.memory_space<vmem>> -> memref<1x200xi32, #tpu.memory_space<vmem>>
      %dma_wait3A_206 = tpu.memref_squeeze %dma_wait3A_205 : memref<1x200xi32, #tpu.memory_space<vmem>> -> memref<200xi32, #tpu.memory_space<vmem>>
      %dma_wait3A_207 = arith.constant 0 : i32
      %dma_wait3A_208 = arith.constant 0 : i32
      %dma_wait3A_209 = tpu.memref_slice %arg3[%dma_wait3A_207, %dma_wait3A_208] : memref<1000000x32xf32, #tpu.memory_space<hbm>> -> memref<1000000x32xf32, #tpu.memory_space<hbm>>
      tpu.wait_indirect_dma semaphore(%arg7 : memref<!tpu.dma_semaphore, #tpu.memory_space<semaphore_mem>>) src(%dma_wait3A_209 : memref<1000000x32xf32, #tpu.memory_space<hbm>>) dst(%dma_wait3A_203 : memref<200x32xf32, #tpu.memory_space<vmem>>)
      %dma_wait3A_210 = arith.constant 4 : i32
      %dma_wait3A_211 = arith.constant 800 : i32
      %dma_wait3A_212 = arith.constant 0 : i32
      %dma_wait3A_213 = tpu.memref_slice %arg6[%dma_wait3A_211, %dma_wait3A_212] : memref<3200x32xf32, #tpu.memory_space<vmem>> -> memref<200x32xf32, #tpu.memory_space<vmem>>
      %dma_wait3A_214 = arith.constant 0 : i32
      %dma_wait3A_215 = tpu.memref_slice %arg5[%dma_wait3A_210, %dma_wait3A_214] : memref<16x200xi32, #tpu.memory_space<vmem>> -> memref<1x200xi32, #tpu.memory_space<vmem>>
      %dma_wait3A_216 = tpu.memref_squeeze %dma_wait3A_215 : memref<1x200xi32, #tpu.memory_space<vmem>> -> memref<200xi32, #tpu.memory_space<vmem>>
      %dma_wait3A_217 = arith.constant 0 : i32
      %dma_wait3A_218 = arith.constant 0 : i32
      %dma_wait3A_219 = tpu.memref_slice %arg3[%dma_wait3A_217, %dma_wait3A_218] : memref<1000000x32xf32, #tpu.memory_space<hbm>> -> memref<1000000x32xf32, #tpu.memory_space<hbm>>
      tpu.wait_indirect_dma semaphore(%arg7 : memref<!tpu.dma_semaphore, #tpu.memory_space<semaphore_mem>>) src(%dma_wait3A_219 : memref<1000000x32xf32, #tpu.memory_space<hbm>>) dst(%dma_wait3A_213 : memref<200x32xf32, #tpu.memory_space<vmem>>)
      %dma_wait3A_220 = arith.constant 5 : i32
      %dma_wait3A_221 = arith.constant 1000 : i32
      %dma_wait3A_222 = arith.constant 0 : i32
      %dma_wait3A_223 = tpu.memref_slice %arg6[%dma_wait3A_221, %dma_wait3A_222] : memref<3200x32xf32, #tpu.memory_space<vmem>> -> memref<200x32xf32, #tpu.memory_space<vmem>>
      %dma_wait3A_224 = arith.constant 0 : i32
      %dma_wait3A_225 = tpu.memref_slice %arg5[%dma_wait3A_220, %dma_wait3A_224] : memref<16x200xi32, #tpu.memory_space<vmem>> -> memref<1x200xi32, #tpu.memory_space<vmem>>
      %dma_wait3A_226 = tpu.memref_squeeze %dma_wait3A_225 : memref<1x200xi32, #tpu.memory_space<vmem>> -> memref<200xi32, #tpu.memory_space<vmem>>
      %dma_wait3A_227 = arith.constant 0 : i32
      %dma_wait3A_228 = arith.constant 0 : i32
      %dma_wait3A_229 = tpu.memref_slice %arg3[%dma_wait3A_227, %dma_wait3A_228] : memref<1000000x32xf32, #tpu.memory_space<hbm>> -> memref<1000000x32xf32, #tpu.memory_space<hbm>>
      tpu.wait_indirect_dma semaphore(%arg7 : memref<!tpu.dma_semaphore, #tpu.memory_space<semaphore_mem>>) src(%dma_wait3A_229 : memref<1000000x32xf32, #tpu.memory_space<hbm>>) dst(%dma_wait3A_223 : memref<200x32xf32, #tpu.memory_space<vmem>>)
      %dma_wait3A_230 = arith.constant 6 : i32
      %dma_wait3A_231 = arith.constant 1200 : i32
      %dma_wait3A_232 = arith.constant 0 : i32
      %dma_wait3A_233 = tpu.memref_slice %arg6[%dma_wait3A_231, %dma_wait3A_232] : memref<3200x32xf32, #tpu.memory_space<vmem>> -> memref<200x32xf32, #tpu.memory_space<vmem>>
      %dma_wait3A_234 = arith.constant 0 : i32
      %dma_wait3A_235 = tpu.memref_slice %arg5[%dma_wait3A_230, %dma_wait3A_234] : memref<16x200xi32, #tpu.memory_space<vmem>> -> memref<1x200xi32, #tpu.memory_space<vmem>>
      %dma_wait3A_236 = tpu.memref_squeeze %dma_wait3A_235 : memref<1x200xi32, #tpu.memory_space<vmem>> -> memref<200xi32, #tpu.memory_space<vmem>>
      %dma_wait3A_237 = arith.constant 0 : i32
      %dma_wait3A_238 = arith.constant 0 : i32
      %dma_wait3A_239 = tpu.memref_slice %arg3[%dma_wait3A_237, %dma_wait3A_238] : memref<1000000x32xf32, #tpu.memory_space<hbm>> -> memref<1000000x32xf32, #tpu.memory_space<hbm>>
      tpu.wait_indirect_dma semaphore(%arg7 : memref<!tpu.dma_semaphore, #tpu.memory_space<semaphore_mem>>) src(%dma_wait3A_239 : memref<1000000x32xf32, #tpu.memory_space<hbm>>) dst(%dma_wait3A_233 : memref<200x32xf32, #tpu.memory_space<vmem>>)
      %dma_wait3A_240 = arith.constant 7 : i32
      %dma_wait3A_241 = arith.constant 1400 : i32
      %dma_wait3A_242 = arith.constant 0 : i32
      %dma_wait3A_243 = tpu.memref_slice %arg6[%dma_wait3A_241, %dma_wait3A_242] : memref<3200x32xf32, #tpu.memory_space<vmem>> -> memref<200x32xf32, #tpu.memory_space<vmem>>
      %dma_wait3A_244 = arith.constant 0 : i32
      %dma_wait3A_245 = tpu.memref_slice %arg5[%dma_wait3A_240, %dma_wait3A_244] : memref<16x200xi32, #tpu.memory_space<vmem>> -> memref<1x200xi32, #tpu.memory_space<vmem>>
      %dma_wait3A_246 = tpu.memref_squeeze %dma_wait3A_245 : memref<1x200xi32, #tpu.memory_space<vmem>> -> memref<200xi32, #tpu.memory_space<vmem>>
      %dma_wait3A_247 = arith.constant 0 : i32
      %dma_wait3A_248 = arith.constant 0 : i32
      %dma_wait3A_249 = tpu.memref_slice %arg3[%dma_wait3A_247, %dma_wait3A_248] : memref<1000000x32xf32, #tpu.memory_space<hbm>> -> memref<1000000x32xf32, #tpu.memory_space<hbm>>
      tpu.wait_indirect_dma semaphore(%arg7 : memref<!tpu.dma_semaphore, #tpu.memory_space<semaphore_mem>>) src(%dma_wait3A_249 : memref<1000000x32xf32, #tpu.memory_space<hbm>>) dst(%dma_wait3A_243 : memref<200x32xf32, #tpu.memory_space<vmem>>)
      %dma_wait3A_250 = arith.constant 8 : i32
      %dma_wait3A_251 = arith.constant 1600 : i32
      %dma_wait3A_252 = arith.constant 0 : i32
      %dma_wait3A_253 = tpu.memref_slice %arg6[%dma_wait3A_251, %dma_wait3A_252] : memref<3200x32xf32, #tpu.memory_space<vmem>> -> memref<200x32xf32, #tpu.memory_space<vmem>>
      %dma_wait3A_254 = arith.constant 0 : i32
      %dma_wait3A_255 = tpu.memref_slice %arg5[%dma_wait3A_250, %dma_wait3A_254] : memref<16x200xi32, #tpu.memory_space<vmem>> -> memref<1x200xi32, #tpu.memory_space<vmem>>
      %dma_wait3A_256 = tpu.memref_squeeze %dma_wait3A_255 : memref<1x200xi32, #tpu.memory_space<vmem>> -> memref<200xi32, #tpu.memory_space<vmem>>
      %dma_wait3A_257 = arith.constant 0 : i32
      %dma_wait3A_258 = arith.constant 0 : i32
      %dma_wait3A_259 = tpu.memref_slice %arg3[%dma_wait3A_257, %dma_wait3A_258] : memref<1000000x32xf32, #tpu.memory_space<hbm>> -> memref<1000000x32xf32, #tpu.memory_space<hbm>>
      tpu.wait_indirect_dma semaphore(%arg7 : memref<!tpu.dma_semaphore, #tpu.memory_space<semaphore_mem>>) src(%dma_wait3A_259 : memref<1000000x32xf32, #tpu.memory_space<hbm>>) dst(%dma_wait3A_253 : memref<200x32xf32, #tpu.memory_space<vmem>>)
      %dma_wait3A_260 = arith.constant 9 : i32
      %dma_wait3A_261 = arith.constant 1800 : i32
      %dma_wait3A_262 = arith.constant 0 : i32
      %dma_wait3A_263 = tpu.memref_slice %arg6[%dma_wait3A_261, %dma_wait3A_262] : memref<3200x32xf32, #tpu.memory_space<vmem>> -> memref<200x32xf32, #tpu.memory_space<vmem>>
      %dma_wait3A_264 = arith.constant 0 : i32
      %dma_wait3A_265 = tpu.memref_slice %arg5[%dma_wait3A_260, %dma_wait3A_264] : memref<16x200xi32, #tpu.memory_space<vmem>> -> memref<1x200xi32, #tpu.memory_space<vmem>>
      %dma_wait3A_266 = tpu.memref_squeeze %dma_wait3A_265 : memref<1x200xi32, #tpu.memory_space<vmem>> -> memref<200xi32, #tpu.memory_space<vmem>>
      %dma_wait3A_267 = arith.constant 0 : i32
      %dma_wait3A_268 = arith.constant 0 : i32
      %dma_wait3A_269 = tpu.memref_slice %arg3[%dma_wait3A_267, %dma_wait3A_268] : memref<1000000x32xf32, #tpu.memory_space<hbm>> -> memref<1000000x32xf32, #tpu.memory_space<hbm>>
      tpu.wait_indirect_dma semaphore(%arg7 : memref<!tpu.dma_semaphore, #tpu.memory_space<semaphore_mem>>) src(%dma_wait3A_269 : memref<1000000x32xf32, #tpu.memory_space<hbm>>) dst(%dma_wait3A_263 : memref<200x32xf32, #tpu.memory_space<vmem>>)
      %dma_wait3A_270 = arith.constant 10 : i32
      %dma_wait3A_271 = arith.constant 2000 : i32
      %dma_wait3A_272 = arith.constant 0 : i32
      %dma_wait3A_273 = tpu.memref_slice %arg6[%dma_wait3A_271, %dma_wait3A_272] : memref<3200x32xf32, #tpu.memory_space<vmem>> -> memref<200x32xf32, #tpu.memory_space<vmem>>
      %dma_wait3A_274 = arith.constant 0 : i32
      %dma_wait3A_275 = tpu.memref_slice %arg5[%dma_wait3A_270, %dma_wait3A_274] : memref<16x200xi32, #tpu.memory_space<vmem>> -> memref<1x200xi32, #tpu.memory_space<vmem>>
      %dma_wait3A_276 = tpu.memref_squeeze %dma_wait3A_275 : memref<1x200xi32, #tpu.memory_space<vmem>> -> memref<200xi32, #tpu.memory_space<vmem>>
      %dma_wait3A_277 = arith.constant 0 : i32
      %dma_wait3A_278 = arith.constant 0 : i32
      %dma_wait3A_279 = tpu.memref_slice %arg3[%dma_wait3A_277, %dma_wait3A_278] : memref<1000000x32xf32, #tpu.memory_space<hbm>> -> memref<1000000x32xf32, #tpu.memory_space<hbm>>
      tpu.wait_indirect_dma semaphore(%arg7 : memref<!tpu.dma_semaphore, #tpu.memory_space<semaphore_mem>>) src(%dma_wait3A_279 : memref<1000000x32xf32, #tpu.memory_space<hbm>>) dst(%dma_wait3A_273 : memref<200x32xf32, #tpu.memory_space<vmem>>)
      %dma_wait3A_280 = arith.constant 11 : i32
      %dma_wait3A_281 = arith.constant 2200 : i32
      %dma_wait3A_282 = arith.constant 0 : i32
      %dma_wait3A_283 = tpu.memref_slice %arg6[%dma_wait3A_281, %dma_wait3A_282] : memref<3200x32xf32, #tpu.memory_space<vmem>> -> memref<200x32xf32, #tpu.memory_space<vmem>>
      %dma_wait3A_284 = arith.constant 0 : i32
      %dma_wait3A_285 = tpu.memref_slice %arg5[%dma_wait3A_280, %dma_wait3A_284] : memref<16x200xi32, #tpu.memory_space<vmem>> -> memref<1x200xi32, #tpu.memory_space<vmem>>
      %dma_wait3A_286 = tpu.memref_squeeze %dma_wait3A_285 : memref<1x200xi32, #tpu.memory_space<vmem>> -> memref<200xi32, #tpu.memory_space<vmem>>
      %dma_wait3A_287 = arith.constant 0 : i32
      %dma_wait3A_288 = arith.constant 0 : i32
      %dma_wait3A_289 = tpu.memref_slice %arg3[%dma_wait3A_287, %dma_wait3A_288] : memref<1000000x32xf32, #tpu.memory_space<hbm>> -> memref<1000000x32xf32, #tpu.memory_space<hbm>>
      tpu.wait_indirect_dma semaphore(%arg7 : memref<!tpu.dma_semaphore, #tpu.memory_space<semaphore_mem>>) src(%dma_wait3A_289 : memref<1000000x32xf32, #tpu.memory_space<hbm>>) dst(%dma_wait3A_283 : memref<200x32xf32, #tpu.memory_space<vmem>>)
      %dma_wait3A_290 = arith.constant 12 : i32
      %dma_wait3A_291 = arith.constant 2400 : i32
      %dma_wait3A_292 = arith.constant 0 : i32
      %dma_wait3A_293 = tpu.memref_slice %arg6[%dma_wait3A_291, %dma_wait3A_292] : memref<3200x32xf32, #tpu.memory_space<vmem>> -> memref<200x32xf32, #tpu.memory_space<vmem>>
      %dma_wait3A_294 = arith.constant 0 : i32
      %dma_wait3A_295 = tpu.memref_slice %arg5[%dma_wait3A_290, %dma_wait3A_294] : memref<16x200xi32, #tpu.memory_space<vmem>> -> memref<1x200xi32, #tpu.memory_space<vmem>>
      %dma_wait3A_296 = tpu.memref_squeeze %dma_wait3A_295 : memref<1x200xi32, #tpu.memory_space<vmem>> -> memref<200xi32, #tpu.memory_space<vmem>>
      %dma_wait3A_297 = arith.constant 0 : i32
      %dma_wait3A_298 = arith.constant 0 : i32
      %dma_wait3A_299 = tpu.memref_slice %arg3[%dma_wait3A_297, %dma_wait3A_298] : memref<1000000x32xf32, #tpu.memory_space<hbm>> -> memref<1000000x32xf32, #tpu.memory_space<hbm>>
      tpu.wait_indirect_dma semaphore(%arg7 : memref<!tpu.dma_semaphore, #tpu.memory_space<semaphore_mem>>) src(%dma_wait3A_299 : memref<1000000x32xf32, #tpu.memory_space<hbm>>) dst(%dma_wait3A_293 : memref<200x32xf32, #tpu.memory_space<vmem>>)
      %dma_wait3A_300 = arith.constant 13 : i32
      %dma_wait3A_301 = arith.constant 2600 : i32
      %dma_wait3A_302 = arith.constant 0 : i32
      %dma_wait3A_303 = tpu.memref_slice %arg6[%dma_wait3A_301, %dma_wait3A_302] : memref<3200x32xf32, #tpu.memory_space<vmem>> -> memref<200x32xf32, #tpu.memory_space<vmem>>
      %dma_wait3A_304 = arith.constant 0 : i32
      %dma_wait3A_305 = tpu.memref_slice %arg5[%dma_wait3A_300, %dma_wait3A_304] : memref<16x200xi32, #tpu.memory_space<vmem>> -> memref<1x200xi32, #tpu.memory_space<vmem>>
      %dma_wait3A_306 = tpu.memref_squeeze %dma_wait3A_305 : memref<1x200xi32, #tpu.memory_space<vmem>> -> memref<200xi32, #tpu.memory_space<vmem>>
      %dma_wait3A_307 = arith.constant 0 : i32
      %dma_wait3A_308 = arith.constant 0 : i32
      %dma_wait3A_309 = tpu.memref_slice %arg3[%dma_wait3A_307, %dma_wait3A_308] : memref<1000000x32xf32, #tpu.memory_space<hbm>> -> memref<1000000x32xf32, #tpu.memory_space<hbm>>
      tpu.wait_indirect_dma semaphore(%arg7 : memref<!tpu.dma_semaphore, #tpu.memory_space<semaphore_mem>>) src(%dma_wait3A_309 : memref<1000000x32xf32, #tpu.memory_space<hbm>>) dst(%dma_wait3A_303 : memref<200x32xf32, #tpu.memory_space<vmem>>)
      %dma_wait3A_310 = arith.constant 14 : i32
      %dma_wait3A_311 = arith.constant 2800 : i32
      %dma_wait3A_312 = arith.constant 0 : i32
      %dma_wait3A_313 = tpu.memref_slice %arg6[%dma_wait3A_311, %dma_wait3A_312] : memref<3200x32xf32, #tpu.memory_space<vmem>> -> memref<200x32xf32, #tpu.memory_space<vmem>>
      %dma_wait3A_314 = arith.constant 0 : i32
      %dma_wait3A_315 = tpu.memref_slice %arg5[%dma_wait3A_310, %dma_wait3A_314] : memref<16x200xi32, #tpu.memory_space<vmem>> -> memref<1x200xi32, #tpu.memory_space<vmem>>
      %dma_wait3A_316 = tpu.memref_squeeze %dma_wait3A_315 : memref<1x200xi32, #tpu.memory_space<vmem>> -> memref<200xi32, #tpu.memory_space<vmem>>
      %dma_wait3A_317 = arith.constant 0 : i32
      %dma_wait3A_318 = arith.constant 0 : i32
      %dma_wait3A_319 = tpu.memref_slice %arg3[%dma_wait3A_317, %dma_wait3A_318] : memref<1000000x32xf32, #tpu.memory_space<hbm>> -> memref<1000000x32xf32, #tpu.memory_space<hbm>>
      tpu.wait_indirect_dma semaphore(%arg7 : memref<!tpu.dma_semaphore, #tpu.memory_space<semaphore_mem>>) src(%dma_wait3A_319 : memref<1000000x32xf32, #tpu.memory_space<hbm>>) dst(%dma_wait3A_313 : memref<200x32xf32, #tpu.memory_space<vmem>>)
      %dma_wait3A_320 = arith.constant 15 : i32
      %dma_wait3A_321 = arith.constant 3000 : i32
      %dma_wait3A_322 = arith.constant 0 : i32
      %dma_wait3A_323 = tpu.memref_slice %arg6[%dma_wait3A_321, %dma_wait3A_322] : memref<3200x32xf32, #tpu.memory_space<vmem>> -> memref<200x32xf32, #tpu.memory_space<vmem>>
      %dma_wait3A_324 = arith.constant 0 : i32
      %dma_wait3A_325 = tpu.memref_slice %arg5[%dma_wait3A_320, %dma_wait3A_324] : memref<16x200xi32, #tpu.memory_space<vmem>> -> memref<1x200xi32, #tpu.memory_space<vmem>>
      %dma_wait3A_326 = tpu.memref_squeeze %dma_wait3A_325 : memref<1x200xi32, #tpu.memory_space<vmem>> -> memref<200xi32, #tpu.memory_space<vmem>>
      %dma_wait3A_327 = arith.constant 0 : i32
      %dma_wait3A_328 = arith.constant 0 : i32
      %dma_wait3A_329 = tpu.memref_slice %arg3[%dma_wait3A_327, %dma_wait3A_328] : memref<1000000x32xf32, #tpu.memory_space<hbm>> -> memref<1000000x32xf32, #tpu.memory_space<hbm>>
      tpu.wait_indirect_dma semaphore(%arg7 : memref<!tpu.dma_semaphore, #tpu.memory_space<semaphore_mem>>) src(%dma_wait3A_329 : memref<1000000x32xf32, #tpu.memory_space<hbm>>) dst(%dma_wait3A_323 : memref<200x32xf32, #tpu.memory_space<vmem>>)
      %mul3A_330 = arith.constant 200 : i32
      %mul3A_331 = arith.muli %add3A_11, %mul3A_330 : i32
      "tpu.region"() ({
        %run_scoped3A = tpu.sem_alloc : memref<!tpu.dma_semaphore, #tpu.memory_space<semaphore_mem>>
        %dma_start3A_332 = arith.constant 0 : i32
        %dma_start3A_333 = tpu.memref_slice %arg4[%mul3A_331, %dma_start3A_332] : memref<819200x128xf32, #tpu.memory_space<hbm>> -> memref<3200x32xf32, #tpu.memory_space<hbm>>
        %dma_start3A_334 = arith.constant 0 : i32
        %dma_start3A_335 = tpu.memref_slice %arg4[%mul3A_331, %dma_start3A_334] : memref<819200x128xf32, #tpu.memory_space<hbm>> -> memref<3200x32xf32, #tpu.memory_space<hbm>>
        tpu.enqueue_dma source(%arg6 : memref<3200x32xf32, #tpu.memory_space<vmem>>) target(%dma_start3A_335 : memref<3200x32xf32, #tpu.memory_space<hbm>>) target_semaphore(%run_scoped3A : memref<!tpu.dma_semaphore, #tpu.memory_space<semaphore_mem>>)
        %dma_wait3A_336 = arith.constant 0 : i32
        %dma_wait3A_337 = tpu.memref_slice %arg4[%mul3A_331, %dma_wait3A_336] : memref<819200x128xf32, #tpu.memory_space<hbm>> -> memref<3200x32xf32, #tpu.memory_space<hbm>>
        %dma_wait3A_338 = arith.constant 0 : i32
        %dma_wait3A_339 = tpu.memref_slice %arg4[%mul3A_331, %dma_wait3A_338] : memref<819200x128xf32, #tpu.memory_space<hbm>> -> memref<3200x32xf32, #tpu.memory_space<hbm>>
        tpu.wait_dma2 semaphore(%run_scoped3A : memref<!tpu.dma_semaphore, #tpu.memory_space<semaphore_mem>>) src(%arg6 : memref<3200x32xf32, #tpu.memory_space<vmem>>) dst(%dma_wait3A_339 : memref<3200x32xf32, #tpu.memory_space<hbm>>)
        tpu.yield
      }) : () -> ()
    }
    %scan3A_7 = arith.constant 8 : i32
    return
  }
}

</mosaic_0001>

<sc_bundles>
// kernel: _emb.3.cloned.1.call-start
scs
__scs_entry_jumppad:
0x0: {  	(pc) =	sbr.rel $0x88, $3  }
0x1: {  	(tag) =	ssettag $0x0;
	lr =	simm.s32 $0x1  }
0x2: {  	[smem:$0x3F9F] =	sst lr;
	_ =	strace $0xD0000000  }
0x3: {  	_ = 	snop  }
0x4: {  	_ = 	snop  }
0x5: {  	_ = 	snop  }
0x6: {  	_ = 	snop  }
0x7: {  	_ = 	snop  }
__scs_overlays_trampoline_lowered:
0x8: {  	[smem:$0x3FAE] =	sst s0  }
0x9: {  	[smem:$0x3FAF] =	sst s1  }
0xa: {  	[smem:$0x3FB0] =	sst s2  }
0xb: {  	[smem:$0x3FB1] =	sst s3  }
0xc: {  	[smem:$0x3FB2] =	sst s4  }
0xd: {  	[smem:$0x3FB3] =	sst s5  }
0xe: {  	[smem:$0x3FB4] =	sst s6  }
0xf: {  	[smem:$0x3FB5] =	sst s7  }
0x10: {  	[smem:$0x3FB6] =	sst s8  }
0x11: {  	[smem:$0x3FB7] =	sst s9;
	s0 =	simm.s32 @!p0 $0x0  }
0x12: {  	s1 =	sld [smem:$0x3F9D];
	s0 =	simm.s32 @p0 $0x1  }
0x13: {  	[smem:$0x3FB8] =	sst s0;
	s0 =	simm.s32 @!p1 $0x0  }
0x14: {  	s2 =	sld [smem:$0x3F9C];
	s0 =	simm.s32 @p1 $0x1  }
0x15: {  	[smem:$0x3FB9] =	sst s0;
	s0 =	simm.s32 @!p2 $0x0  }
0x16: {  	s3 =	sld [smem:$0x3FDB];
	s0 =	simm.s32 @p2 $0x1  }
0x17: {  	s4 =	simm.s32 $0x1BF5;
	[smem:$0x3FBB] =	sst s0  }
0x18: {  	s0 =	sld [smem:$0x3F9E];
	_ =	swait.ge [sflag:s4], $0x0  }
0x19: {  	s7 =	sld [smem:$0x3F9F]  }
0x1a: {  	s8 =	sadd.s32 $0xFFFFE003, lr  }
0x1b: {  	s9 =	sadd.s32 $0xFFFFFEF7, lr;
	s5 =	simm.s32 $0xFFFFFFFF;
	p2 =	slt.u32 s8, $0xFFFFF086  }
0x1c: {  	p1 =	slt.u32 s9, $0xF7A;
	s5 =	simm.s32 @!p2 $0x0  }
0x1d: {  	s5 =	simm.s32 @p1 $0x1;
	p0 =	seq.s32 s7, s2  }
0x1e: {  	s7 =	smul.u32 @!p0 $0xF7A, s2;
	p2 =	seq.s32 @!p0 s5, $0x0  }
0x1f: {  	s9 =	smul.u32 $0xF7A, s1;
	s8 =	simm.s32 @!p0 $0x1BF5;
	p2 =	por !p2, p0  }
0x20: {  	[sflag:s8] =	ssyncset.s32 @!p0 $0xFFFFF086;
	s6 =	sadd.s32 @!p0 s3, s7;
	s7 =	simm.s32 @!p0 $0x108  }
0x21: {  	s3 =	sadd.s32 s3, s9;
	s6 =	sadd.s32 @!p0 $0x88, s6;
	s7 =	simm.s32 @p2 $0x1082  }
0x22: {  	[simem:s7], [sflag:s8] =	dma.local @!p0 [hbm:s6], $0xF7A  }
0x23: {  	s9 =	sor.u32 $0xD0000000, s2;
	s6 =	simm.s32 $0x108;
	_ =	swait.ge @!p0 [sflag:s8], $0x0  }
0x24: {  	s3 =	sadd.s32 $0x88, s3;
	s6 =	simm.s32 @!p1 $0x1082;
	[sflag:s4] =	ssyncset.s32 $0xFFFFF086  }
0x25: {  	[simem:s6], [sflag:s4] =	dma.local [hbm:s3], $0xF7A  }
0x26: {  	[smem:$0x3F9F] =	sst s1;
	(tag) =	ssettag s2;
	_ =	strace s9  }
0x27: {  	s1 =	sld [smem:$0x3FAF]  }
0x28: {  	s2 =	sld [smem:$0x3FB0]  }
0x29: {  	s4 =	sld [smem:$0x3FB2]  }
0x2a: {  	p0 =	seq.s32 s5, $0x0;
	s5 =	sld [smem:$0x3FB3]  }
0x2b: {  	s6 =	sld [smem:$0x3FB4]  }
0x2c: {  	s7 =	sld [smem:$0x3FB5]  }
0x2d: {  	s3 =	simm.s32 $0x108;
	s8 =	sld [smem:$0x3FB6]  }
0x2e: {  	s3 =	simm.s32 @!p0 $0x1082;
	s9 =	sld [smem:$0x3FB7]  }
0x2f: {  	lr =	sadd.s32 s0, s3;
	s0 =	sld [smem:$0x3FAE]  }
0x30: {  	s3 =	sld [smem:$0x3FB1]  }
0x31: {  	[smem:$0x3FBA] =	sst s10  }
0x32: {  	s10 =	sld [smem:$0x3FB8];
	_ =	sdelay $0x3  }
0x33: {  	p0 =	seq.s32 s10, $0x1;
	s10 =	sld [smem:$0x3FBA];
	_ =	sdelay $0x3  }
0x34: {  	[smem:$0x3FBA] =	sst s10  }
0x35: {  	s10 =	sld [smem:$0x3FB9];
	_ =	sdelay $0x3  }
0x36: {  	p1 =	seq.s32 s10, $0x1;
	s10 =	sld [smem:$0x3FBA];
	_ =	sdelay $0x3  }
0x37: {  	[smem:$0x3FBA] =	sst s10  }
0x38: {  	s10 =	sld [smem:$0x3FBB]  }
0x39: {  	_ = 	snop;
	(pc) =	sbr.ind lr, $3  }
0x3a: {  	_ = 	snop  }
0x3b: {  	_ = 	snop  }
0x3c: {  	p2 =	seq.s32 s10, $0x1;
	s10 =	sld [smem:$0x3FBA]  }
0x3d: {  	_ =	shalt  }
0x3e: {  	_ =	shalt  }
0x3f: {  	_ =	shalt  }
0x40: {  	_ =	shalt  }
0x41: {  	_ =	shalt  }
0x42: {  	_ =	shalt  }
0x43: {  	_ =	shalt  }
0x44: {  	_ =	shalt  }
0x45: {  	_ =	shalt  }
0x46: {  	_ =	shalt  }
0x47: {  	_ =	shalt  }
0x48: {  	_ =	shalt  }
0x49: {  	_ =	shalt  }
0x4a: {  	_ =	shalt  }
0x4b: {  	_ =	shalt  }
0x4c: {  	_ =	shalt  }
0x4d: {  	_ =	shalt  }
0x4e: {  	_ =	shalt  }
0x4f: {  	_ =	shalt  }
0x50: {  	_ =	shalt  }
0x51: {  	_ =	shalt  }
0x52: {  	_ =	shalt  }
0x53: {  	_ =	shalt  }
0x54: {  	_ =	shalt  }
0x55: {  	_ =	shalt  }
0x56: {  	_ =	shalt  }
0x57: {  	_ =	shalt  }
0x58: {  	_ =	shalt  }
0x59: {  	_ =	shalt  }
0x5a: {  	_ =	shalt  }
0x5b: {  	_ =	shalt  }
0x5c: {  	_ =	shalt  }
0x5d: {  	_ =	shalt  }
0x5e: {  	_ =	shalt  }
0x5f: {  	_ =	shalt  }
0x60: {  	_ =	shalt  }
0x61: {  	_ =	shalt  }
0x62: {  	_ =	shalt  }
0x63: {  	_ =	shalt  }
0x64: {  	_ =	shalt  }
0x65: {  	_ =	shalt  }
0x66: {  	_ =	shalt  }
0x67: {  	_ =	shalt  }
0x68: {  	_ =	shalt  }
0x69: {  	_ =	shalt  }
0x6a: {  	_ =	shalt  }
0x6b: {  	_ =	shalt  }
0x6c: {  	_ =	shalt  }
0x6d: {  	_ =	shalt  }
0x6e: {  	_ =	shalt  }
0x6f: {  	_ =	shalt  }
0x70: {  	_ =	shalt  }
0x71: {  	_ =	shalt  }
0x72: {  	_ =	shalt  }
0x73: {  	_ =	shalt  }
0x74: {  	_ =	shalt  }
0x75: {  	_ =	shalt  }
0x76: {  	_ =	shalt  }
0x77: {  	_ =	shalt  }
0x78: {  	_ =	shalt  }
0x79: {  	_ =	shalt  }
0x7a: {  	_ =	shalt  }
0x7b: {  	_ =	shalt  }
0x7c: {  	_ =	shalt  }
0x7d: {  	_ =	shalt  }
0x7e: {  	_ =	shalt  }
0x7f: {  	_ =	shalt  }
0x80: {  	_ =	shalt  }
0x81: {  	_ =	shalt  }
0x82: {  	_ =	shalt  }
0x83: {  	_ =	shalt  }
0x84: {  	_ =	shalt  }
0x85: {  	_ =	shalt  }
0x86: {  	_ =	shalt  }
0x87: {  	_ =	shalt  }
.Lfunc_end0:
.L_simem_size_0:
called_computation_lowered:
.L_overlay_start_0:
0x88: {  	s2 =	sld [smem:$0x3FD9]  }
0x89: {  	s3 =	sld [smem:$0x3FFE];
	_ =	sdelay $0x1  }
0x8a: {  	s1 =	srdreg.scid  }
0x8b: {  	s0 =	sand.u32 $0x1, s1  }
0x8c: {  	s17 =	sshll.u32 s0, $0xA;
	s2 =	sadd.s32 s3, s2  }
0x8d: {  	s2 =	sadd.s32 s2, s17  }
0x8e: {  	[smem:$0x3FC6] =	sst s2  }
0x8f: {  	_ = 	snop  }
0x90: {  	s2 =	sld [smem:$0x3FD0];
	(tm) =	ssettm $0x1  }
0x91: {  	s18 =	sld [smem:$0x3FFB];
	_ =	sdelay $0x3  }
0x92: {  	_ =	strace s18  }
0x93: {  	s3 =	sld [smem:$0x3FFC];
	_ =	sdelay $0x3  }
0x94: {  	_ =	strace s3  }
0x95: {  	s3 =	sld [smem:$0x3FFD];
	_ =	sdelay $0x3  }
0x96: {  	_ =	strace s3  }
0x97: {  	_ =	strace $0x8FFFFFFF  }
0x98: {  	s19 =	sld [smem:$0x3FDB];
	_ =	sdelay $0x1  }
0x99: {  	s4 =	simm.s32 $_scs_section_size  }
0x9a: {  	s5 =	simm.s32 $_size__tile_overlayer_lowered;
	s6 =	simm.s32 $_tile_overlayer_lowered  }
0x9b: {  	s22 =	simm.s32 $0x1BFF;
	s21 =	sshll.u32 s6, $0x1;
	s3 =	sadd.s32 s4, s19  }
0x9c: {  	s7 =	simm.s32 $0x0;
	s20 =	sshll.u32 s5, $0x1;
	s5 =	sadd.s32 s21, s3  }
0x9d: {  	[timem:s7], [sflag:s22] =	dma.local [hbm:s5], s20  }
0x9e: {  	_ =	swait.ge [sflag:s22], s20  }
0x9f: {  	s4 =	ssub.s32 $0x0, s20;
	[sflag:s22] =	ssyncset.done $0x0  }
0xa0: {  	[sflag:s22] =	ssyncadd.s32 s4;
	_ =	sdelay $0x1  }
0xa1: {  	s23 =	simm.s32 $0x1B8B  }
0xa2: {  	_ =	swait.ge [sflag:s23], $0x1  }
0xa3: {  	[sflag:s23] =	ssyncset.done $0x0  }
0xa4: {  	s25 =	simm.s32 $0x1B8E;
	s24 =	sld [smem:$0x3FFE];
	[sflag:s23] =	ssyncadd.s32 $0xFFFFFFFF  }
0xa5: {  	s26 =	simm.s32 $execute0_lowered;
	[smem:$0x3FD2] =	sst s25  }
0xa6: {  	s5 =	sshll.u32 s26, $0x1;
	_ =	strace $0x80000046;
	[dreg:$0x1] =	wrdreg $0xFFFFFFFF  }
0xa7: {  	s28 =	simm.s32 $_size_execute0_lowered;
	s3 =	sadd.s32 s3, s5;
	[dreg:$0x0] =	wrdreg $0x0  }
0xa8: {  	s5 =	sshll.u32 s28, $0x1;
	[dreg:$0x2] =	wrdreg s3  }
0xa9: {  	[dreg:$0x3] =	wrdreg s5  }
0xaa: {  	[dreg:$0x4] =	wrdreg $0xC0  }
0xab: {  	_ =	task [dreg:s7], $0x5FFFF  }
0xac: {  	[dreg:$0x1] =	wrdreg $0xFFFFFFFF  }
0xad: {  	[dreg:$0x0] =	wrdreg $0x60  }
0xae: {  	[dreg:$0x2] =	wrdreg s24  }
0xaf: {  	[dreg:$0x3] =	wrdreg s2  }
0xb0: {  	[dreg:$0x4] =	wrdreg $0x9  }
0xb1: {  	_ =	task.clear_ibuf [dreg:s7], $0x5FFFF;
	_ =	strace $0x90000046  }
0xb2: {  	s29 =	simm.s32 $0x9;
	_ =	strace $0x80000048  }
0xb3: {  	_ =	swait.ge [sflag:s29], $0x1  }
0xb4: {  	[sflag:s29] =	ssyncadd.s32 $0xFFFFFFFF  }
0xb5: {  	_ =	strace $0x90000048  }
0xb6: {  	_ =	sfence  }
0xb7: {  	s30 =	sld [smem:$0x0];
	_ =	sdelay $0x2  }
0xb8: {  	s31 =	sshll.u32 s1, $0xD;
	s1 =	sshrl.u32 s1, $0x2  }
0xb9: {  	s3 =	sand.u32 $0x4000, s31;
	s1 =	sadd.s32 s1, s30  }
0xba: {  	s0 =	sor.u32 s3, s0;
	s1 =	sshll.u32 s1, $0x11  }
0xbb: {  	s0 =	sor.u32 s1, s0  }
0xbc: {  	s0 =	sadd.s32 $0x8F2B, s0  }
0xbd: {  	[sflag:s0] =	ssyncadd.remote.s32 $0x1  }
0xbe: {  	_ =	sfence.sel $0xFFFF  }
0xbf: {  	[dreg:$0x0] =	wrdreg $0xFFFFFFFF;
	(pc) =	sbr.abs _section_cstart, $3  }
0xc0: {  	[dreg:$0x1] =	wrdreg $0xFFFFFFFF  }
0xc1: {  	_ =	task.clear_ibuf [dreg:s7], $0x2FFFF;
	_ =	strace $0x9FFFFFFF  }
0xc2: {  	(tm) =	ssettm $0x7FFFFFFF  }
0xc3: {  	_ =	shalt  }
tec
execute0_lowered:
.L_overlay_start_1:
0x0: {  	(tag) =	ssettag $0x1  }
0x1: {  	s7 =	stileid.u32  }
0x2: {  	s0 =	srdreg.scid;
	s1 =	rddreg [dreg:$0x0]  }
0x3: {  	s4 =	rddreg [dreg:$0x1];
	s2 =	simm.s32 $0x0;
	s15 =	simm.s32 $0x2580  }
0x4: {  	s17 =	simm.s32 $0x190;
	s18 =	simm.s32 $0x3E80;
	s19 =	simm.s32 $0x258  }
0x5: {  	s20 =	simm.s32 $0x5780;
	s22 =	simm.s32 $0x320;
	s23 =	simm.s32 $0x7080  }
0x6: {  	s24 =	simm.s32 $0x3E8;
	s25 =	simm.s32 $0x8980;
	[smem:$0x7FF] =	sst s2  }
0x7: {  	s26 =	simm.s32 $0x4B0;
	_ =	strace $0x80000047;
	[dreg:$0x4] =	wrdreg s15  }
0x8: {  	s31 =	simm.s32 $0xA280;
	s8 =	simm.s32 $0xC80;
	[dreg:$0x5] =	wrdreg s17  }
0x9: {  	s9 =	simm.s32 $0x578;
	s10 =	simm.s32 $0xBB80;
	[dreg:$0x6] =	wrdreg s18  }
0xa: {  	s11 =	simm.s32 $0x640;
	s12 =	simm.s32 $0xD480;
	[dreg:$0x7] =	wrdreg s19  }
0xb: {  	s13 =	simm.s32 $0x708;
	s14 =	simm.s32 $0xED80;
	[dreg:$0x8] =	wrdreg s20  }
0xc: {  	s28 =	simm.s32 $0x1;
	s29 =	simm.s32 $0x20;
	[dreg:$0x9] =	wrdreg s22  }
0xd: {  	s30 =	simm.s32 $0x80;
	s3 =	smul.u32 $0x1900, s7;
	[dreg:$0xa] =	wrdreg s23  }
0xe: {  	s0 =	sand.u32 $0x1, s0;
	s21 =	smul.u32 $0xC8000, s7;
	[dreg:$0xb] =	wrdreg s24  }
0xf: {  	s7 =	simm.s32 $0xC8;
	s5 =	smul.u32 $0xC80, s0;
	[dreg:$0xc] =	wrdreg s25  }
0x10: {  	s16 =	ssub.s32 $0x2, s0;
	s0 =	smul.u32 $0x64000, s0;
	[dreg:$0xd] =	wrdreg s26  }
0x11: {  	[dreg:$0xe] =	wrdreg s31;
	s15 =	simm.s32 $0x7D0;
	s17 =	simm.s32 $0x898  }
0x12: {  	s18 =	simm.s32 $0x11F80;
	s19 =	simm.s32 $0x960;
	s20 =	simm.s32 $0x13880  }
0x13: {  	s22 =	simm.s32 $0x15180;
	s23 =	simm.s32 $0xAF0;
	s24 =	simm.s32 $0x16A80  }
0x14: {  	s25 =	simm.s32 $0xBB8;
	s26 =	simm.s32 $0x18380;
	s3 =	sadd.s32 s3, s1  }
0x15: {  	s6 =	sshrl.u32 s16, $0x1;
	s4 =	sadd.s32 s21, s4;
	s3 =	sadd.s32 s5, s3  }
0x16: {  	s21 =	simm.s32 $0xA28;
	s0 =	sadd.s32 s0, s4;
	s5 =	sadd.s32 $0x600, s3  }
0x17: {  	s3 =	sadd.s32 $0xF42A00, s1;
	[dreg:$0x3] =	wrdreg s5;
	s5 =	ssub.s32 s16, s6  }
0x18: {  	[dreg:$0x10] =	wrdreg s0;
	s1 =	simm.s32 $0x0;
	s5 =	smax.u32 s5, $0x1  }
0x19: {  	s6 =	simm.s32 $0x2;
	s16 =	simm.s32 $0x10680;
	[dreg:$0xf] =	wrdreg s5  }
.LBB2_1:
0x1a: {  	s0 =	rddreg [dreg:$0x3]  }
0x1b: {  	[dreg:$0x11] =	wrdreg s1;
	s0 =	sadd.s32 $0x0, s0  }
0x1c: {  	[tilespmem:s2], [sflag:$0x2] =	stream.linear.gather [hbm4b:s0+s2], $0xC80, $0x38;
	[tilespmem:$0x19C80] =	vst v63  }
0x1d: {  	_ =	swait.ge [sflag:s6], $0xC80  }
0x1e: {  	s0 =	rddreg [dreg:$0x5]  }
0x1f: {  	s31 =	rddreg [dreg:$0x4]  }
0x20: {  	[sflag:s6] =	ssyncset.done $0x0;
	s5 =	rddreg [dreg:$0x6]  }
0x21: {  	s4 =	rddreg [dreg:$0x8];
	[sflag:s6] =	ssyncadd.s32 $0xFFFFF380  }
0x22: {  	[tilespmem:s8], [sflag:$0x1] =	stream.indirect.gather [hbm4b:s3+s7], $0x20, s2, s7, $0xb8;
	[tilespmem:$0x19C80] =	vst v63  }
0x23: {  	s1 =	rddreg [dreg:$0x7]  }
0x24: {  	[tilespmem:s31], [sflag:$0x1] =	stream.indirect.gather [hbm4b:s3+s7], $0x20, s7, s7, $0xb8;
	[tilespmem:$0x19C80] =	vst v63  }
0x25: {  	s31 =	rddreg [dreg:$0x9]  }
0x26: {  	[tilespmem:s5], [sflag:$0x1] =	stream.indirect.gather [hbm4b:s3+s7], $0x20, s0, s7, $0xb8;
	[tilespmem:$0x19C80] =	vst v63  }
0x27: {  	s5 =	rddreg [dreg:$0xa]  }
0x28: {  	[tilespmem:s4], [sflag:$0x1] =	stream.indirect.gather [hbm4b:s3+s7], $0x20, s1, s7, $0xb8;
	[tilespmem:$0x19C80] =	vst v63  }
0x29: {  	s1 =	rddreg [dreg:$0xc]  }
0x2a: {  	s4 =	rddreg [dreg:$0xb]  }
0x2b: {  	[tilespmem:s5], [sflag:$0x1] =	stream.indirect.gather [hbm4b:s3+s7], $0x20, s31, s7, $0xb8;
	[tilespmem:$0x19C80] =	vst v63  }
0x2c: {  	s5 =	rddreg [dreg:$0xe]  }
0x2d: {  	[tilespmem:s1], [sflag:$0x1] =	stream.indirect.gather [hbm4b:s3+s7], $0x20, s4, s7, $0xb8;
	[tilespmem:$0x19C80] =	vst v63  }
0x2e: {  	s31 =	rddreg [dreg:$0xd]  }
0x2f: {  	[tilespmem:s5], [sflag:$0x1] =	stream.indirect.gather [hbm4b:s3+s7], $0x20, s31, s7, $0xb8;
	[tilespmem:$0x19C80] =	vst v63  }
0x30: {  	_ = 	snop  }
0x31: {  	[tilespmem:s10], [sflag:$0x1] =	stream.indirect.gather [hbm4b:s3+s7], $0x20, s9, s7, $0xb8;
	[tilespmem:$0x19C80] =	vst v63  }
0x32: {  	_ = 	snop  }
0x33: {  	[tilespmem:s12], [sflag:$0x1] =	stream.indirect.gather [hbm4b:s3+s7], $0x20, s11, s7, $0xb8;
	[tilespmem:$0x19C80] =	vst v63  }
0x34: {  	_ = 	snop  }
0x35: {  	[tilespmem:s14], [sflag:$0x1] =	stream.indirect.gather [hbm4b:s3+s7], $0x20, s13, s7, $0xb8;
	[tilespmem:$0x19C80] =	vst v63  }
0x36: {  	_ = 	snop  }
0x37: {  	[tilespmem:s16], [sflag:$0x1] =	stream.indirect.gather [hbm4b:s3+s7], $0x20, s15, s7, $0xb8;
	[tilespmem:$0x19C80] =	vst v63  }
0x38: {  	_ = 	snop  }
0x39: {  	[tilespmem:s18], [sflag:$0x1] =	stream.indirect.gather [hbm4b:s3+s7], $0x20, s17, s7, $0xb8;
	[tilespmem:$0x19C80] =	vst v63  }
0x3a: {  	_ = 	snop  }
0x3b: {  	[tilespmem:s20], [sflag:$0x1] =	stream.indirect.gather [hbm4b:s3+s7], $0x20, s19, s7, $0xb8;
	[tilespmem:$0x19C80] =	vst v63  }
0x3c: {  	_ = 	snop  }
0x3d: {  	[tilespmem:s22], [sflag:$0x1] =	stream.indirect.gather [hbm4b:s3+s7], $0x20, s21, s7, $0xb8;
	[tilespmem:$0x19C80] =	vst v63  }
0x3e: {  	_ = 	snop  }
0x3f: {  	[tilespmem:s24], [sflag:$0x1] =	stream.indirect.gather [hbm4b:s3+s7], $0x20, s23, s7, $0xb8;
	[tilespmem:$0x19C80] =	vst v63  }
0x40: {  	_ = 	snop  }
0x41: {  	[tilespmem:s26], [sflag:$0x1] =	stream.indirect.gather [hbm4b:s3+s7], $0x20, s25, s7, $0xb8;
	[tilespmem:$0x19C80] =	vst v63  }
0x42: {  	_ =	swait.ge [sflag:s28], $0x1900  }
0x43: {  	[sflag:s28] =	ssyncset.done $0x0  }
0x44: {  	[sflag:s28] =	ssyncadd.s32 $0xFFFFE700  }
0x45: {  	_ =	swait.ge [sflag:s28], $0x1900  }
0x46: {  	[sflag:s28] =	ssyncset.done $0x0  }
0x47: {  	[sflag:s28] =	ssyncadd.s32 $0xFFFFE700  }
0x48: {  	_ =	swait.ge [sflag:s28], $0x1900  }
0x49: {  	[sflag:s28] =	ssyncset.done $0x0  }
0x4a: {  	[sflag:s28] =	ssyncadd.s32 $0xFFFFE700  }
0x4b: {  	_ =	swait.ge [sflag:s28], $0x1900  }
0x4c: {  	[sflag:s28] =	ssyncset.done $0x0  }
0x4d: {  	[sflag:s28] =	ssyncadd.s32 $0xFFFFE700  }
0x4e: {  	_ =	swait.ge [sflag:s28], $0x1900  }
0x4f: {  	[sflag:s28] =	ssyncset.done $0x0  }
0x50: {  	[sflag:s28] =	ssyncadd.s32 $0xFFFFE700  }
0x51: {  	_ =	swait.ge [sflag:s28], $0x1900  }
0x52: {  	[sflag:s28] =	ssyncset.done $0x0  }
0x53: {  	[sflag:s28] =	ssyncadd.s32 $0xFFFFE700  }
0x54: {  	_ =	swait.ge [sflag:s28], $0x1900  }
0x55: {  	[sflag:s28] =	ssyncset.done $0x0  }
0x56: {  	[sflag:s28] =	ssyncadd.s32 $0xFFFFE700  }
0x57: {  	_ =	swait.ge [sflag:s28], $0x1900  }
0x58: {  	[sflag:s28] =	ssyncset.done $0x0  }
0x59: {  	[sflag:s28] =	ssyncadd.s32 $0xFFFFE700  }
0x5a: {  	_ =	swait.ge [sflag:s28], $0x1900  }
0x5b: {  	[sflag:s28] =	ssyncset.done $0x0  }
0x5c: {  	[sflag:s28] =	ssyncadd.s32 $0xFFFFE700  }
0x5d: {  	_ =	swait.ge [sflag:s28], $0x1900  }
0x5e: {  	[sflag:s28] =	ssyncset.done $0x0  }
0x5f: {  	[sflag:s28] =	ssyncadd.s32 $0xFFFFE700  }
0x60: {  	_ =	swait.ge [sflag:s28], $0x1900  }
0x61: {  	[sflag:s28] =	ssyncset.done $0x0  }
0x62: {  	[sflag:s28] =	ssyncadd.s32 $0xFFFFE700  }
0x63: {  	_ =	swait.ge [sflag:s28], $0x1900  }
0x64: {  	[sflag:s28] =	ssyncset.done $0x0  }
0x65: {  	[sflag:s28] =	ssyncadd.s32 $0xFFFFE700  }
0x66: {  	_ =	swait.ge [sflag:s28], $0x1900  }
0x67: {  	[sflag:s28] =	ssyncset.done $0x0  }
0x68: {  	[sflag:s28] =	ssyncadd.s32 $0xFFFFE700  }
0x69: {  	_ =	swait.ge [sflag:s28], $0x1900  }
0x6a: {  	[sflag:s28] =	ssyncset.done $0x0  }
0x6b: {  	[sflag:s28] =	ssyncadd.s32 $0xFFFFE700  }
0x6c: {  	_ =	swait.ge [sflag:s28], $0x1900  }
0x6d: {  	[sflag:s28] =	ssyncset.done $0x0  }
0x6e: {  	[sflag:s28] =	ssyncadd.s32 $0xFFFFE700  }
0x6f: {  	_ =	swait.ge [sflag:s28], $0x1900  }
0x70: {  	s0 =	rddreg [dreg:$0x10]  }
0x71: {  	s1 =	simm.s32 $0x190;
	[sflag:s28] =	ssyncset.done $0x0;
	s5 =	smov.u32 s0  }
.LBB2_2:
0x72: {  	[sflag:s28] =	ssyncadd.s32 $0xFFFFE700  }
0x73: {  	[hbm4b:s0+s29] =	stream.strided.scatter [tilespmem:s8], [sflag:$0x2], $0x19000, s30, s29, $0x38;
	[tilespmem:$0x19C80] =	vst v63  }
0x74: {  	_ =	swait.ge [sflag:s6], $0x19000  }
0x75: {  	s4 =	smov.u32 s1;
	s31 =	rddreg [dreg:$0x3];
	[sflag:s6] =	ssyncset.done $0x0  }
0x76: {  	[sflag:s6] =	ssyncadd.s32 $0xFFFE7000;
	s4 =	sadd.s32 s4, s31  }
0x77: {  	[tilespmem:s2], [sflag:$0x2] =	stream.linear.gather [hbm4b:s4+s2], $0xC80, $0x38;
	[tilespmem:$0x19C80] =	vst v63  }
0x78: {  	_ =	swait.ge [sflag:s6], $0xC80  }
0x79: {  	s4 =	rddreg [dreg:$0xe]  }
0x7a: {  	s31 =	rddreg [dreg:$0xc]  }
0x7b: {  	s9 =	rddreg [dreg:$0xa]  }
0x7c: {  	[sflag:s6] =	ssyncset.done $0x0;
	s10 =	rddreg [dreg:$0x5]  }
0x7d: {  	s11 =	rddreg [dreg:$0x4];
	[sflag:s6] =	ssyncadd.s32 $0xFFFFF380  }
0x7e: {  	[tilespmem:s8], [sflag:$0x1] =	stream.indirect.gather [hbm4b:s3+s7], $0x20, s2, s7, $0xb8;
	[tilespmem:$0x19C80] =	vst v63  }
0x7f: {  	s12 =	rddreg [dreg:$0x6]  }
0x80: {  	[tilespmem:s11], [sflag:$0x1] =	stream.indirect.gather [hbm4b:s3+s7], $0x20, s7, s7, $0xb8;
	[tilespmem:$0x19C80] =	vst v63  }
0x81: {  	s13 =	rddreg [dreg:$0x8]  }
0x82: {  	[tilespmem:s12], [sflag:$0x1] =	stream.indirect.gather [hbm4b:s3+s7], $0x20, s10, s7, $0xb8;
	[tilespmem:$0x19C80] =	vst v63  }
0x83: {  	s11 =	rddreg [dreg:$0x7]  }
0x84: {  	[tilespmem:s13], [sflag:$0x1] =	stream.indirect.gather [hbm4b:s3+s7], $0x20, s11, s7, $0xb8;
	[tilespmem:$0x19C80] =	vst v63  }
0x85: {  	s10 =	rddreg [dreg:$0x9]  }
0x86: {  	[tilespmem:s9], [sflag:$0x1] =	stream.indirect.gather [hbm4b:s3+s7], $0x20, s10, s7, $0xb8;
	[tilespmem:$0x19C80] =	vst v63  }
0x87: {  	s11 =	rddreg [dreg:$0xb]  }
0x88: {  	[tilespmem:s31], [sflag:$0x1] =	stream.indirect.gather [hbm4b:s3+s7], $0x20, s11, s7, $0xb8;
	[tilespmem:$0x19C80] =	vst v63  }
0x89: {  	s9 =	rddreg [dreg:$0xd]  }
0x8a: {  	[tilespmem:s4], [sflag:$0x1] =	stream.indirect.gather [hbm4b:s3+s7], $0x20, s9, s7, $0xb8;
	[tilespmem:$0x19C80] =	vst v63  }
0x8b: {  	s10 =	simm.s32 $0xBB80;
	s9 =	simm.s32 $0x578  }
0x8c: {  	[tilespmem:s10], [sflag:$0x1] =	stream.indirect.gather [hbm4b:s3+s7], $0x20, s9, s7, $0xb8;
	[tilespmem:$0x19C80] =	vst v63  }
0x8d: {  	s12 =	simm.s32 $0xD480;
	s11 =	simm.s32 $0x640  }
0x8e: {  	[tilespmem:s12], [sflag:$0x1] =	stream.indirect.gather [hbm4b:s3+s7], $0x20, s11, s7, $0xb8;
	[tilespmem:$0x19C80] =	vst v63  }
0x8f: {  	s13 =	simm.s32 $0x708  }
0x90: {  	[tilespmem:s14], [sflag:$0x1] =	stream.indirect.gather [hbm4b:s3+s7], $0x20, s13, s7, $0xb8;
	[tilespmem:$0x19C80] =	vst v63  }
0x91: {  	_ = 	snop  }
0x92: {  	[tilespmem:s16], [sflag:$0x1] =	stream.indirect.gather [hbm4b:s3+s7], $0x20, s15, s7, $0xb8;
	[tilespmem:$0x19C80] =	vst v63  }
0x93: {  	_ = 	snop  }
0x94: {  	[tilespmem:s18], [sflag:$0x1] =	stream.indirect.gather [hbm4b:s3+s7], $0x20, s17, s7, $0xb8;
	[tilespmem:$0x19C80] =	vst v63  }
0x95: {  	_ = 	snop  }
0x96: {  	[tilespmem:s20], [sflag:$0x1] =	stream.indirect.gather [hbm4b:s3+s7], $0x20, s19, s7, $0xb8;
	[tilespmem:$0x19C80] =	vst v63  }
0x97: {  	_ = 	snop  }
0x98: {  	[tilespmem:s22], [sflag:$0x1] =	stream.indirect.gather [hbm4b:s3+s7], $0x20, s21, s7, $0xb8;
	[tilespmem:$0x19C80] =	vst v63  }
0x99: {  	_ = 	snop  }
0x9a: {  	[tilespmem:s24], [sflag:$0x1] =	stream.indirect.gather [hbm4b:s3+s7], $0x20, s23, s7, $0xb8;
	[tilespmem:$0x19C80] =	vst v63  }
0x9b: {  	_ = 	snop  }
0x9c: {  	[tilespmem:s26], [sflag:$0x1] =	stream.indirect.gather [hbm4b:s3+s7], $0x20, s25, s7, $0xb8;
	[tilespmem:$0x19C80] =	vst v63  }
0x9d: {  	_ =	swait.ge [sflag:s28], $0x1900  }
0x9e: {  	[sflag:s28] =	ssyncset.done $0x0  }
0x9f: {  	[sflag:s28] =	ssyncadd.s32 $0xFFFFE700  }
0xa0: {  	_ =	swait.ge [sflag:s28], $0x1900  }
0xa1: {  	[sflag:s28] =	ssyncset.done $0x0  }
0xa2: {  	[sflag:s28] =	ssyncadd.s32 $0xFFFFE700  }
0xa3: {  	_ =	swait.ge [sflag:s28], $0x1900  }
0xa4: {  	[sflag:s28] =	ssyncset.done $0x0  }
0xa5: {  	[sflag:s28] =	ssyncadd.s32 $0xFFFFE700  }
0xa6: {  	_ =	swait.ge [sflag:s28], $0x1900  }
0xa7: {  	[sflag:s28] =	ssyncset.done $0x0  }
0xa8: {  	[sflag:s28] =	ssyncadd.s32 $0xFFFFE700  }
0xa9: {  	_ =	swait.ge [sflag:s28], $0x1900  }
0xaa: {  	[sflag:s28] =	ssyncset.done $0x0  }
0xab: {  	[sflag:s28] =	ssyncadd.s32 $0xFFFFE700  }
0xac: {  	_ =	swait.ge [sflag:s28], $0x1900  }
0xad: {  	[sflag:s28] =	ssyncset.done $0x0  }
0xae: {  	[sflag:s28] =	ssyncadd.s32 $0xFFFFE700  }
0xaf: {  	_ =	swait.ge [sflag:s28], $0x1900  }
0xb0: {  	[sflag:s28] =	ssyncset.done $0x0  }
0xb1: {  	[sflag:s28] =	ssyncadd.s32 $0xFFFFE700  }
0xb2: {  	_ =	swait.ge [sflag:s28], $0x1900  }
0xb3: {  	[sflag:s28] =	ssyncset.done $0x0  }
0xb4: {  	[sflag:s28] =	ssyncadd.s32 $0xFFFFE700  }
0xb5: {  	_ =	swait.ge [sflag:s28], $0x1900  }
0xb6: {  	[sflag:s28] =	ssyncset.done $0x0  }
0xb7: {  	[sflag:s28] =	ssyncadd.s32 $0xFFFFE700  }
0xb8: {  	_ =	swait.ge [sflag:s28], $0x1900  }
0xb9: {  	[sflag:s28] =	ssyncset.done $0x0  }
0xba: {  	[sflag:s28] =	ssyncadd.s32 $0xFFFFE700  }
0xbb: {  	_ =	swait.ge [sflag:s28], $0x1900  }
0xbc: {  	[sflag:s28] =	ssyncset.done $0x0  }
0xbd: {  	[sflag:s28] =	ssyncadd.s32 $0xFFFFE700  }
0xbe: {  	_ =	swait.ge [sflag:s28], $0x1900  }
0xbf: {  	[sflag:s28] =	ssyncset.done $0x0  }
0xc0: {  	[sflag:s28] =	ssyncadd.s32 $0xFFFFE700  }
0xc1: {  	_ =	swait.ge [sflag:s28], $0x1900  }
0xc2: {  	[sflag:s28] =	ssyncset.done $0x0  }
0xc3: {  	[sflag:s28] =	ssyncadd.s32 $0xFFFFE700  }
0xc4: {  	_ =	swait.ge [sflag:s28], $0x1900  }
0xc5: {  	[sflag:s28] =	ssyncset.done $0x0  }
0xc6: {  	p0 =	sne.s32 s1, $0xAF0;
	[sflag:s28] =	ssyncadd.s32 $0xFFFFE700  }
.Ltmp0:
0xc7: {  	_ =	swait.ge [sflag:s28], $0x1900;
	(pc) =	sbr.rel @p0 .LBB2_2-.Ltmp0, $4  }
0xc8: {  	[sflag:s28] =	ssyncset.done $0x0  }
0xc9: {  	[sflag:s28] =	ssyncadd.s32 $0xFFFFE700  }
0xca: {  	s5 =	sadd.s32 $0xC800, s5;
	_ =	swait.ge [sflag:s28], $0x1900  }
0xcb: {  	s1 =	sadd.s32 $0x190, s1;
	s0 =	smov.u32 s5;
	[sflag:s28] =	ssyncset.done $0x0  }
0xcc: {  	[sflag:s28] =	ssyncadd.s32 $0xFFFFE700  }
0xcd: {  	[hbm4b:s0+s29] =	stream.strided.scatter [tilespmem:s8], [sflag:$0x2], $0x19000, s30, s29, $0x38;
	[tilespmem:$0x19C80] =	vst v63  }
0xce: {  	_ =	swait.ge [sflag:s6], $0x19000  }
0xcf: {  	s1 =	rddreg [dreg:$0x11]  }
0xd0: {  	s31 =	rddreg [dreg:$0xf];
	s1 =	sadd.s32 $0x1, s1  }
0xd1: {  	p0 =	sne.s32 s1, s31  }
.Ltmp1:
0xd2: {  	_ = 	snop;
	(pc) =	sbr.rel @p0 .LBB2_1-.Ltmp1, $3  }
0xd3: {  	_ =	sdelay $0x1  }
0xd4: {  	[sflag:s6] =	ssyncset.done $0x0  }
0xd5: {  	[sflag:s6] =	ssyncadd.s32 $0xFFFE7000  }
0xd6: {  	_ =	sfence.sel $0x180000  }
0xd7: {  	[bflag:$0x0] =	sbarrier.arrive $0xFFFF  }
0xd8: {  	_ =	strace $0x90000047  }
0xd9: {  	s0 =	stileid.u32;
	[bflag:$0x2] =	sbarrier.arrive $0xFFFF  }
0xda: {  	p0 =	sne.s32 s0, $0x0;
	s0 =	rddreg [dreg:$0x2]  }
0xdb: {  	s0 =	sadd.s32 @!p0 $0x100000, s0  }
0xdc: {  	[sflag:s0] =	ssyncadd.tile.s32 @!p0 $0x1;
	_ =	shalt  }
.Lfunc_end2:
_tile_overlayer_lowered:
.L_overlay_start_2:
0xdd: {  	(tag) =	ssettag $0x2  }
0xde: {  	s0 =	rddreg [dreg:$0x0];
	s2 =	stileid.u32  }
0xdf: {  	s1 =	rddreg [dreg:$0x1];
	p0 =	sne.s32 s2, $0x0  }
0xe0: {  	s3 =	rddreg [dreg:$0x2];
	[bflag:$0x3] =	sbarrier.arrive $0xFFFF;
	s2 =	simm.s32 @!p0 $0x1C02  }
0xe1: {  	[timem:s3], [sflag:s2] =	dma.local @!p0 [hbm:s0], s1  }
0xe2: {  	s0 =	simm.s32 @!p0 $0x2  }
0xe3: {  	_ =	swait.ge @!p0 [sflag:s0], s1  }
0xe4: {  	s1 =	ssub.s32 @!p0 $0x0, s1;
	[sflag:s0] =	ssyncset.done @!p0 $0x0  }
0xe5: {  	[sflag:s0] =	ssyncadd.s32 @!p0 s1  }
0xe6: {  	[bflag:$0x3] =	sbarrier.arrive $0xFFFF  }
0xe7: {  	_ =	shalt  }

</sc_bundles>
